<compile_context>
chip_gen: v7x
topology: tpu7x:2x2x1
jax: 0.10.2.dev20260603
libtpu: 0.0.44.dev20260713+nightly
codegen_flags: <defaults>
</compile_context>

<pallas_src>
import functools
import jax
import jax.numpy as jnp
from jax import lax
from jax.experimental import pallas as pl
from jax.experimental.pallas import tpu as pltpu
from jax.experimental.pallas import tpu_sc as plsc

NUM_CORES = 2
NUM_SUBCORES = 16
NUM_WORKERS = NUM_CORES * NUM_SUBCORES
LANES = 16
CHUNK_ROWS = 8
NBUF = 4


def kernel(x, pos_emb):
    batch, seq_len, d_model = x.shape
    xf = x.reshape(batch * seq_len, d_model)
    pef = pos_emb[:seq_len]
    total_rows = batch * seq_len
    rows_per_w = total_rows // NUM_WORKERS
    assert total_rows % NUM_WORKERS == 0 and seq_len % rows_per_w == 0
    n_chunks = rows_per_w // CHUNK_ROWS
    assert n_chunks % NBUF == 0 and n_chunks >= 2 * NBUF

    mesh = plsc.VectorSubcoreMesh(core_axis_name="c", subcore_axis_name="s")

    @functools.partial(
        pl.kernel,
        out_type=jax.ShapeDtypeStruct((total_rows, d_model), jnp.float32),
        mesh=mesh,
        scratch_types=(
            [pltpu.VMEM((CHUNK_ROWS, d_model), jnp.float32) for _ in range(NBUF)]
            + [pltpu.VMEM((CHUNK_ROWS, d_model), jnp.float32) for _ in range(NBUF)]
            + [pltpu.SemaphoreType.DMA for _ in range(3 * NBUF)]
        ),
    )
    def sc_add(x_hbm, pe_hbm, o_hbm, *scratch):
        bufx = scratch[:NBUF]
        bufpe = scratch[NBUF : 2 * NBUF]
        ldx_sem = scratch[2 * NBUF : 3 * NBUF]
        ldpe_sem = scratch[3 * NBUF : 4 * NBUF]
        st_sem = scratch[4 * NBUF : 5 * NBUF]

        wid = lax.axis_index("s") * NUM_CORES + lax.axis_index("c")
        row0 = wid * rows_per_w
        pe_row0 = lax.rem(row0, seq_len)

        def start_load(ci, b):
            row = row0 + ci * CHUNK_ROWS
            pltpu.async_copy(
                x_hbm.at[pl.ds(row, CHUNK_ROWS)], bufx[b], ldx_sem[b]
            )
            pltpu.async_copy(
                pe_hbm.at[pl.ds(pe_row0 + ci * CHUNK_ROWS, CHUNK_ROWS)],
                bufpe[b],
                ldpe_sem[b],
            )

        def wait_load(b):
            pltpu.make_async_copy(x_hbm.at[pl.ds(0, CHUNK_ROWS)], bufx[b], ldx_sem[b]).wait()
            pltpu.make_async_copy(pe_hbm.at[pl.ds(0, CHUNK_ROWS)], bufpe[b], ldpe_sem[b]).wait()

        def start_store(ci, b):
            row = row0 + ci * CHUNK_ROWS
            pltpu.async_copy(bufx[b], o_hbm.at[pl.ds(row, CHUNK_ROWS)], st_sem[b])

        def wait_store(b):
            pltpu.make_async_copy(bufx[b], o_hbm.at[pl.ds(0, CHUNK_ROWS)], st_sem[b]).wait()

        start_load(0, 0)
        start_load(1, 1)

        @pl.loop(0, n_chunks, step=NBUF)
        def _g(g):
            for b in range(NBUF):
                ci = g + b
                nxt = ci + 2
                nxt_b = (b + 2) % NBUF

                @pl.when(nxt < n_chunks)
                def _():
                    @pl.when(ci >= NBUF - 2)
                    def _():
                        wait_store(nxt_b)

                    start_load(nxt, nxt_b)

                wait_load(b)

                @plsc.parallel_loop(0, d_model, step=LANES, unroll=2)
                def _vec(c):
                    sl = pl.ds(c, LANES)
                    for r in range(CHUNK_ROWS):
                        plsc.addupdate(bufx[b].at[r].at[sl], bufpe[b].at[r][sl])

                start_store(ci, b)

        for b in range(NBUF):
            wait_store(b)

    return sc_add(xf, pef).reshape(x.shape)

# --- scband reference (transcript-rebuilt; emitter-appended) ---
"""Pipeline reference for scband-learned-absolute-positional-encoding-26414048870486 (READ-ONLY COPY).

The authoritative reference and input builder live on the scoring server;
editing this copy changes nothing except your own understanding.
"""

import jax, jax.numpy as jnp
import numpy as np

D_MODEL = 1024
MAX_LEN = 4096
BATCH = 4
SEQ_LEN = 4096


def setup_inputs(seed: int = 0) -> dict:
    key = jax.random.key(seed)
    kx, kp = jax.random.split(key)
    x = jax.random.normal(kx, (BATCH, SEQ_LEN, D_MODEL), dtype=jnp.float32)
    pos_emb = jax.random.normal(kp, (MAX_LEN, D_MODEL), dtype=jnp.float32) * 0.02
    return {"x": x, "pos_emb": pos_emb}


def reference(x, pos_emb):
    # LearnedAbsolutePositionalEncoding.forward (eval mode, dropout p=0.0)
    seq_len = x.shape[1]
    positions = jnp.arange(seq_len)  # [S]
    pe = jnp.take(pos_emb, positions, axis=0)  # gather: [S, d_model]
    pe = pe[None, :, :]  # [1, S, d_model] (broadcast over batch)
    return x + pe

if __name__ == "__main__":
    import jax
    _d = setup_inputs()
    print(jax.jit(kernel)(*tuple(_d.values())))

</pallas_src>

<mosaic_0001>
#map = affine_map<(d0, d1) -> (0, 0)>
module attributes {stable_mosaic.version = 14 : i64} {
  func.func @sc_add(%arg0: i32, %arg1: i32, %arg2: memref<16384x1024xf32, #tpu.memory_space<hbm>>, %arg3: memref<4096x1024xf32, #tpu.memory_space<hbm>>, %arg4: memref<16384x1024xf32, #tpu.memory_space<hbm>>, %arg5: memref<8x1024xf32, #tpu.memory_space<vmem>>, %arg6: memref<8x1024xf32, #tpu.memory_space<vmem>>, %arg7: memref<8x1024xf32, #tpu.memory_space<vmem>>, %arg8: memref<8x1024xf32, #tpu.memory_space<vmem>>, %arg9: memref<8x1024xf32, #tpu.memory_space<vmem>>, %arg10: memref<8x1024xf32, #tpu.memory_space<vmem>>, %arg11: memref<8x1024xf32, #tpu.memory_space<vmem>>, %arg12: memref<8x1024xf32, #tpu.memory_space<vmem>>, %arg13: memref<!tpu.dma_semaphore, #tpu.memory_space<semaphore_mem>>, %arg14: memref<!tpu.dma_semaphore, #tpu.memory_space<semaphore_mem>>, %arg15: memref<!tpu.dma_semaphore, #tpu.memory_space<semaphore_mem>>, %arg16: memref<!tpu.dma_semaphore, #tpu.memory_space<semaphore_mem>>, %arg17: memref<!tpu.dma_semaphore, #tpu.memory_space<semaphore_mem>>, %arg18: memref<!tpu.dma_semaphore, #tpu.memory_space<semaphore_mem>>, %arg19: memref<!tpu.dma_semaphore, #tpu.memory_space<semaphore_mem>>, %arg20: memref<!tpu.dma_semaphore, #tpu.memory_space<semaphore_mem>>, %arg21: memref<!tpu.dma_semaphore, #tpu.memory_space<semaphore_mem>>, %arg22: memref<!tpu.dma_semaphore, #tpu.memory_space<semaphore_mem>>, %arg23: memref<!tpu.dma_semaphore, #tpu.memory_space<semaphore_mem>>, %arg24: memref<!tpu.dma_semaphore, #tpu.memory_space<semaphore_mem>>) attributes {dimension_semantics = [#tpu.dimension_semantics<core_parallel>, #tpu.dimension_semantics<subcore_parallel>], iteration_bounds = array<i64: 2, 16>, scalar_prefetch = 0 : i64, scratch_operands = 20 : i64, tpu.core_type = #tpu.core_type<sc_vector_subcore>, window_params = [{transform_indices = #map}, {transform_indices = #map}, {transform_indices = #map}]} {
    %mul3A = arith.constant 2 : i32
    %mul3A_0 = arith.muli %arg1, %mul3A : i32
    %add3A = arith.addi %mul3A_0, %arg0 : i32
    %mul3A_1 = arith.constant 512 : i32
    %mul3A_2 = arith.muli %add3A, %mul3A_1 : i32
    %rem3A = arith.constant 4096 : i32
    %rem3A_3 = arith.remsi %mul3A_2, %rem3A : i32
    %add3A_4 = arith.constant 0 : i32
    %add3A_5 = arith.addi %mul3A_2, %add3A_4 : i32
    %dma_start3A = arith.constant 0 : i32
    %dma_start3A_6 = tpu.memref_slice %arg2[%add3A_5, %dma_start3A] : memref<16384x1024xf32, #tpu.memory_space<hbm>> -> memref<8x1024xf32, #tpu.memory_space<hbm>>
    %dma_start3A_7 = arith.constant 0 : i32
    %dma_start3A_8 = tpu.memref_slice %arg2[%add3A_5, %dma_start3A_7] : memref<16384x1024xf32, #tpu.memory_space<hbm>> -> memref<8x1024xf32, #tpu.memory_space<hbm>>
    tpu.enqueue_dma source(%dma_start3A_8 : memref<8x1024xf32, #tpu.memory_space<hbm>>) target(%arg5 : memref<8x1024xf32, #tpu.memory_space<vmem>>) target_semaphore(%arg13 : memref<!tpu.dma_semaphore, #tpu.memory_space<semaphore_mem>>)
    %add3A_9 = arith.constant 0 : i32
    %add3A_10 = arith.addi %rem3A_3, %add3A_9 : i32
    %dma_start3A_11 = arith.constant 0 : i32
    %dma_start3A_12 = tpu.memref_slice %arg3[%add3A_10, %dma_start3A_11] : memref<4096x1024xf32, #tpu.memory_space<hbm>> -> memref<8x1024xf32, #tpu.memory_space<hbm>>
    %dma_start3A_13 = arith.constant 0 : i32
    %dma_start3A_14 = tpu.memref_slice %arg3[%add3A_10, %dma_start3A_13] : memref<4096x1024xf32, #tpu.memory_space<hbm>> -> memref<8x1024xf32, #tpu.memory_space<hbm>>
    tpu.enqueue_dma source(%dma_start3A_14 : memref<8x1024xf32, #tpu.memory_space<hbm>>) target(%arg9 : memref<8x1024xf32, #tpu.memory_space<vmem>>) target_semaphore(%arg17 : memref<!tpu.dma_semaphore, #tpu.memory_space<semaphore_mem>>)
    %add3A_15 = arith.constant 8 : i32
    %add3A_16 = arith.addi %mul3A_2, %add3A_15 : i32
    %dma_start3A_17 = arith.constant 0 : i32
    %dma_start3A_18 = tpu.memref_slice %arg2[%add3A_16, %dma_start3A_17] : memref<16384x1024xf32, #tpu.memory_space<hbm>> -> memref<8x1024xf32, #tpu.memory_space<hbm>>
    %dma_start3A_19 = arith.constant 0 : i32
    %dma_start3A_20 = tpu.memref_slice %arg2[%add3A_16, %dma_start3A_19] : memref<16384x1024xf32, #tpu.memory_space<hbm>> -> memref<8x1024xf32, #tpu.memory_space<hbm>>
    tpu.enqueue_dma source(%dma_start3A_20 : memref<8x1024xf32, #tpu.memory_space<hbm>>) target(%arg6 : memref<8x1024xf32, #tpu.memory_space<vmem>>) target_semaphore(%arg14 : memref<!tpu.dma_semaphore, #tpu.memory_space<semaphore_mem>>)
    %add3A_21 = arith.constant 8 : i32
    %add3A_22 = arith.addi %rem3A_3, %add3A_21 : i32
    %dma_start3A_23 = arith.constant 0 : i32
    %dma_start3A_24 = tpu.memref_slice %arg3[%add3A_22, %dma_start3A_23] : memref<4096x1024xf32, #tpu.memory_space<hbm>> -> memref<8x1024xf32, #tpu.memory_space<hbm>>
    %dma_start3A_25 = arith.constant 0 : i32
    %dma_start3A_26 = tpu.memref_slice %arg3[%add3A_22, %dma_start3A_25] : memref<4096x1024xf32, #tpu.memory_space<hbm>> -> memref<8x1024xf32, #tpu.memory_space<hbm>>
    tpu.enqueue_dma source(%dma_start3A_26 : memref<8x1024xf32, #tpu.memory_space<hbm>>) target(%arg10 : memref<8x1024xf32, #tpu.memory_space<vmem>>) target_semaphore(%arg18 : memref<!tpu.dma_semaphore, #tpu.memory_space<semaphore_mem>>)
    %scan3A = arith.constant 0 : i32
    %scan3A_27 = arith.constant 16 : i32
    %scan3A_28 = arith.addi %scan3A, %scan3A_27 : i32
    %scan3A_29 = arith.constant 1 : i32
    scf.for %scan3A_54 = %scan3A to %scan3A_28 step %scan3A_29  : i32 {
      %mul3A_55 = arith.constant 4 : i32
      %mul3A_56 = arith.muli %scan3A_54, %mul3A_55 : i32
      %add3A_57 = arith.constant 0 : i32
      %add3A_58 = arith.addi %add3A_57, %mul3A_56 : i32
      %add3A_59 = arith.constant 0 : i32
      %add3A_60 = arith.addi %add3A_58, %add3A_59 : i32
      %add3A_61 = arith.constant 2 : i32
      %add3A_62 = arith.addi %add3A_60, %add3A_61 : i32
      %lt3A = arith.constant 64 : i32
      %lt3A_63 = arith.cmpi slt, %add3A_62, %lt3A : i32
      %convert_element_type3A = arith.extui %lt3A_63 : i1 to i32
      %cond3A = arith.constant 0 : i32
      %cond3A_64 = arith.cmpi ne, %convert_element_type3A, %cond3A : i32
      scf.if %cond3A_64 {
        %ge3A = arith.constant 2 : i32
        %ge3A_179 = arith.cmpi sge, %add3A_60, %ge3A : i32
        %convert_element_type3A_180 = arith.extui %ge3A_179 : i1 to i32
        %cond3A_181 = arith.constant 0 : i32
        %cond3A_182 = arith.cmpi ne, %convert_element_type3A_180, %cond3A_181 : i32
        scf.if %cond3A_182 {
          %dma_wait3A_197 = arith.constant 0 : i32
          %dma_wait3A_198 = arith.constant 0 : i32
          %dma_wait3A_199 = tpu.memref_slice %arg4[%dma_wait3A_197, %dma_wait3A_198] : memref<16384x1024xf32, #tpu.memory_space<hbm>> -> memref<8x1024xf32, #tpu.memory_space<hbm>>
          %dma_wait3A_200 = arith.constant 0 : i32
          %dma_wait3A_201 = arith.constant 0 : i32
          %dma_wait3A_202 = tpu.memref_slice %arg4[%dma_wait3A_200, %dma_wait3A_201] : memref<16384x1024xf32, #tpu.memory_space<hbm>> -> memref<8x1024xf32, #tpu.memory_space<hbm>>
          tpu.wait_dma2 semaphore(%arg23 : memref<!tpu.dma_semaphore, #tpu.memory_space<semaphore_mem>>) src(%arg7 : memref<8x1024xf32, #tpu.memory_space<vmem>>) dst(%dma_wait3A_202 : memref<8x1024xf32, #tpu.memory_space<hbm>>)
        } else {
        }
        %mul3A_183 = arith.constant 8 : i32
        %mul3A_184 = arith.muli %add3A_62, %mul3A_183 : i32
        %add3A_185 = arith.addi %mul3A_2, %mul3A_184 : i32
        %dma_start3A_186 = arith.constant 0 : i32
        %dma_start3A_187 = tpu.memref_slice %arg2[%add3A_185, %dma_start3A_186] : memref<16384x1024xf32, #tpu.memory_space<hbm>> -> memref<8x1024xf32, #tpu.memory_space<hbm>>
        %dma_start3A_188 = arith.constant 0 : i32
        %dma_start3A_189 = tpu.memref_slice %arg2[%add3A_185, %dma_start3A_188] : memref<16384x1024xf32, #tpu.memory_space<hbm>> -> memref<8x1024xf32, #tpu.memory_space<hbm>>
        tpu.enqueue_dma source(%dma_start3A_189 : memref<8x1024xf32, #tpu.memory_space<hbm>>) target(%arg7 : memref<8x1024xf32, #tpu.memory_space<vmem>>) target_semaphore(%arg15 : memref<!tpu.dma_semaphore, #tpu.memory_space<semaphore_mem>>)
        %mul3A_190 = arith.constant 8 : i32
        %mul3A_191 = arith.muli %add3A_62, %mul3A_190 : i32
        %add3A_192 = arith.addi %rem3A_3, %mul3A_191 : i32
        %dma_start3A_193 = arith.constant 0 : i32
        %dma_start3A_194 = tpu.memref_slice %arg3[%add3A_192, %dma_start3A_193] : memref<4096x1024xf32, #tpu.memory_space<hbm>> -> memref<8x1024xf32, #tpu.memory_space<hbm>>
        %dma_start3A_195 = arith.constant 0 : i32
        %dma_start3A_196 = tpu.memref_slice %arg3[%add3A_192, %dma_start3A_195] : memref<4096x1024xf32, #tpu.memory_space<hbm>> -> memref<8x1024xf32, #tpu.memory_space<hbm>>
        tpu.enqueue_dma source(%dma_start3A_196 : memref<8x1024xf32, #tpu.memory_space<hbm>>) target(%arg11 : memref<8x1024xf32, #tpu.memory_space<vmem>>) target_semaphore(%arg19 : memref<!tpu.dma_semaphore, #tpu.memory_space<semaphore_mem>>)
      } else {
      }
      %dma_wait3A_65 = arith.constant 0 : i32
      %dma_wait3A_66 = arith.constant 0 : i32
      %dma_wait3A_67 = tpu.memref_slice %arg2[%dma_wait3A_65, %dma_wait3A_66] : memref<16384x1024xf32, #tpu.memory_space<hbm>> -> memref<8x1024xf32, #tpu.memory_space<hbm>>
      %dma_wait3A_68 = arith.constant 0 : i32
      %dma_wait3A_69 = arith.constant 0 : i32
      %dma_wait3A_70 = tpu.memref_slice %arg2[%dma_wait3A_68, %dma_wait3A_69] : memref<16384x1024xf32, #tpu.memory_space<hbm>> -> memref<8x1024xf32, #tpu.memory_space<hbm>>
      tpu.wait_dma2 semaphore(%arg13 : memref<!tpu.dma_semaphore, #tpu.memory_space<semaphore_mem>>) src(%dma_wait3A_70 : memref<8x1024xf32, #tpu.memory_space<hbm>>) dst(%arg5 : memref<8x1024xf32, #tpu.memory_space<vmem>>)
      %dma_wait3A_71 = arith.constant 0 : i32
      %dma_wait3A_72 = arith.constant 0 : i32
      %dma_wait3A_73 = tpu.memref_slice %arg3[%dma_wait3A_71, %dma_wait3A_72] : memref<4096x1024xf32, #tpu.memory_space<hbm>> -> memref<8x1024xf32, #tpu.memory_space<hbm>>
      %dma_wait3A_74 = arith.constant 0 : i32
      %dma_wait3A_75 = arith.constant 0 : i32
      %dma_wait3A_76 = tpu.memref_slice %arg3[%dma_wait3A_74, %dma_wait3A_75] : memref<4096x1024xf32, #tpu.memory_space<hbm>> -> memref<8x1024xf32, #tpu.memory_space<hbm>>
      tpu.wait_dma2 semaphore(%arg17 : memref<!tpu.dma_semaphore, #tpu.memory_space<semaphore_mem>>) src(%dma_wait3A_76 : memref<8x1024xf32, #tpu.memory_space<hbm>>) dst(%arg9 : memref<8x1024xf32, #tpu.memory_space<vmem>>)
      %parallel_loop3A = arith.constant 0 : i32
      %parallel_loop3A_77 = arith.constant 1024 : i32
      %parallel_loop3A_78 = arith.constant 16 : i32
      scf.for %parallel_loop3A_179 = %parallel_loop3A to %parallel_loop3A_77 step %parallel_loop3A_78  : i32 {
        %parallel_loop3A_180 = arith.constant 0 : i32
        %parallel_loop3A_181 = arith.constant 0 : i32
        %parallel_loop3A_182 = tpu.memref_slice %arg9[%parallel_loop3A_180, %parallel_loop3A_181] : memref<8x1024xf32, #tpu.memory_space<vmem>> -> memref<1x1024xf32, #tpu.memory_space<vmem>>
        %parallel_loop3A_183 = tpu.memref_squeeze %parallel_loop3A_182 : memref<1x1024xf32, #tpu.memory_space<vmem>> -> memref<1024xf32, #tpu.memory_space<vmem>>
        %parallel_loop3A_184 = arith.index_cast %parallel_loop3A_179 : i32 to index
        %parallel_loop3A_185 = tpu.vector_load %parallel_loop3A_183[%parallel_loop3A_184] {strides = array<i32>} : memref<1024xf32, #tpu.memory_space<vmem>>, vector<16xf32>,
        %parallel_loop3A_186 = vector.shape_cast %parallel_loop3A_185 : vector<16xf32> to vector<16xf32>
        %parallel_loop3A_187 = arith.constant 0 : i32
        %parallel_loop3A_188 = arith.constant 0 : i32
        %parallel_loop3A_189 = tpu.memref_slice %arg5[%parallel_loop3A_187, %parallel_loop3A_188] : memref<8x1024xf32, #tpu.memory_space<vmem>> -> memref<1x1024xf32, #tpu.memory_space<vmem>>
        %parallel_loop3A_190 = tpu.memref_squeeze %parallel_loop3A_189 : memref<1x1024xf32, #tpu.memory_space<vmem>> -> memref<1024xf32, #tpu.memory_space<vmem>>
        %parallel_loop3A_191 = arith.index_cast %parallel_loop3A_179 : i32 to index
        %parallel_loop3A_192 = tpu.vector_load %parallel_loop3A_190[%parallel_loop3A_191] {strides = array<i32>} : memref<1024xf32, #tpu.memory_space<vmem>>, vector<16xf32>,
        %parallel_loop3A_193 = vector.shape_cast %parallel_loop3A_192 : vector<16xf32> to vector<16xf32>
        %parallel_loop3A_194 = vector.shape_cast %parallel_loop3A_186 : vector<16xf32> to vector<16xf32>
        tpu.vector_store %parallel_loop3A_190[%parallel_loop3A_191], %parallel_loop3A_194 {add = true, strides = array<i32>} : memref<1024xf32, #tpu.memory_space<vmem>>, vector<16xf32>,
        %parallel_loop3A_195 = arith.constant 1 : i32
        %parallel_loop3A_196 = arith.constant 0 : i32
        %parallel_loop3A_197 = tpu.memref_slice %arg9[%parallel_loop3A_195, %parallel_loop3A_196] : memref<8x1024xf32, #tpu.memory_space<vmem>> -> memref<1x1024xf32, #tpu.memory_space<vmem>>
        %parallel_loop3A_198 = tpu.memref_squeeze %parallel_loop3A_197 : memref<1x1024xf32, #tpu.memory_space<vmem>> -> memref<1024xf32, #tpu.memory_space<vmem>>
        %parallel_loop3A_199 = arith.index_cast %parallel_loop3A_179 : i32 to index
        %parallel_loop3A_200 = tpu.vector_load %parallel_loop3A_198[%parallel_loop3A_199] {strides = array<i32>} : memref<1024xf32, #tpu.memory_space<vmem>>, vector<16xf32>,
        %parallel_loop3A_201 = vector.shape_cast %parallel_loop3A_200 : vector<16xf32> to vector<16xf32>
        %parallel_loop3A_202 = arith.constant 1 : i32
        %parallel_loop3A_203 = arith.constant 0 : i32
        %parallel_loop3A_204 = tpu.memref_slice %arg5[%parallel_loop3A_202, %parallel_loop3A_203] : memref<8x1024xf32, #tpu.memory_space<vmem>> -> memref<1x1024xf32, #tpu.memory_space<vmem>>
        %parallel_loop3A_205 = tpu.memref_squeeze %parallel_loop3A_204 : memref<1x1024xf32, #tpu.memory_space<vmem>> -> memref<1024xf32, #tpu.memory_space<vmem>>
        %parallel_loop3A_206 = arith.index_cast %parallel_loop3A_179 : i32 to index
        %parallel_loop3A_207 = tpu.vector_load %parallel_loop3A_205[%parallel_loop3A_206] {strides = array<i32>} : memref<1024xf32, #tpu.memory_space<vmem>>, vector<16xf32>,
        %parallel_loop3A_208 = vector.shape_cast %parallel_loop3A_207 : vector<16xf32> to vector<16xf32>
        %parallel_loop3A_209 = vector.shape_cast %parallel_loop3A_201 : vector<16xf32> to vector<16xf32>
        tpu.vector_store %parallel_loop3A_205[%parallel_loop3A_206], %parallel_loop3A_209 {add = true, strides = array<i32>} : memref<1024xf32, #tpu.memory_space<vmem>>, vector<16xf32>,
        %parallel_loop3A_210 = arith.constant 2 : i32
        %parallel_loop3A_211 = arith.constant 0 : i32
        %parallel_loop3A_212 = tpu.memref_slice %arg9[%parallel_loop3A_210, %parallel_loop3A_211] : memref<8x1024xf32, #tpu.memory_space<vmem>> -> memref<1x1024xf32, #tpu.memory_space<vmem>>
        %parallel_loop3A_213 = tpu.memref_squeeze %parallel_loop3A_212 : memref<1x1024xf32, #tpu.memory_space<vmem>> -> memref<1024xf32, #tpu.memory_space<vmem>>
        %parallel_loop3A_214 = arith.index_cast %parallel_loop3A_179 : i32 to index
        %parallel_loop3A_215 = tpu.vector_load %parallel_loop3A_213[%parallel_loop3A_214] {strides = array<i32>} : memref<1024xf32, #tpu.memory_space<vmem>>, vector<16xf32>,
        %parallel_loop3A_216 = vector.shape_cast %parallel_loop3A_215 : vector<16xf32> to vector<16xf32>
        %parallel_loop3A_217 = arith.constant 2 : i32
        %parallel_loop3A_218 = arith.constant 0 : i32
        %parallel_loop3A_219 = tpu.memref_slice %arg5[%parallel_loop3A_217, %parallel_loop3A_218] : memref<8x1024xf32, #tpu.memory_space<vmem>> -> memref<1x1024xf32, #tpu.memory_space<vmem>>
        %parallel_loop3A_220 = tpu.memref_squeeze %parallel_loop3A_219 : memref<1x1024xf32, #tpu.memory_space<vmem>> -> memref<1024xf32, #tpu.memory_space<vmem>>
        %parallel_loop3A_221 = arith.index_cast %parallel_loop3A_179 : i32 to index
        %parallel_loop3A_222 = tpu.vector_load %parallel_loop3A_220[%parallel_loop3A_221] {strides = array<i32>} : memref<1024xf32, #tpu.memory_space<vmem>>, vector<16xf32>,
        %parallel_loop3A_223 = vector.shape_cast %parallel_loop3A_222 : vector<16xf32> to vector<16xf32>
        %parallel_loop3A_224 = vector.shape_cast %parallel_loop3A_216 : vector<16xf32> to vector<16xf32>
        tpu.vector_store %parallel_loop3A_220[%parallel_loop3A_221], %parallel_loop3A_224 {add = true, strides = array<i32>} : memref<1024xf32, #tpu.memory_space<vmem>>, vector<16xf32>,
        %parallel_loop3A_225 = arith.constant 3 : i32
        %parallel_loop3A_226 = arith.constant 0 : i32
        %parallel_loop3A_227 = tpu.memref_slice %arg9[%parallel_loop3A_225, %parallel_loop3A_226] : memref<8x1024xf32, #tpu.memory_space<vmem>> -> memref<1x1024xf32, #tpu.memory_space<vmem>>
        %parallel_loop3A_228 = tpu.memref_squeeze %parallel_loop3A_227 : memref<1x1024xf32, #tpu.memory_space<vmem>> -> memref<1024xf32, #tpu.memory_space<vmem>>
        %parallel_loop3A_229 = arith.index_cast %parallel_loop3A_179 : i32 to index
        %parallel_loop3A_230 = tpu.vector_load %parallel_loop3A_228[%parallel_loop3A_229] {strides = array<i32>} : memref<1024xf32, #tpu.memory_space<vmem>>, vector<16xf32>,
        %parallel_loop3A_231 = vector.shape_cast %parallel_loop3A_230 : vector<16xf32> to vector<16xf32>
        %parallel_loop3A_232 = arith.constant 3 : i32
        %parallel_loop3A_233 = arith.constant 0 : i32
        %parallel_loop3A_234 = tpu.memref_slice %arg5[%parallel_loop3A_232, %parallel_loop3A_233] : memref<8x1024xf32, #tpu.memory_space<vmem>> -> memref<1x1024xf32, #tpu.memory_space<vmem>>
        %parallel_loop3A_235 = tpu.memref_squeeze %parallel_loop3A_234 : memref<1x1024xf32, #tpu.memory_space<vmem>> -> memref<1024xf32, #tpu.memory_space<vmem>>
        %parallel_loop3A_236 = arith.index_cast %parallel_loop3A_179 : i32 to index
        %parallel_loop3A_237 = tpu.vector_load %parallel_loop3A_235[%parallel_loop3A_236] {strides = array<i32>} : memref<1024xf32, #tpu.memory_space<vmem>>, vector<16xf32>,
        %parallel_loop3A_238 = vector.shape_cast %parallel_loop3A_237 : vector<16xf32> to vector<16xf32>
        %parallel_loop3A_239 = vector.shape_cast %parallel_loop3A_231 : vector<16xf32> to vector<16xf32>
        tpu.vector_store %parallel_loop3A_235[%parallel_loop3A_236], %parallel_loop3A_239 {add = true, strides = array<i32>} : memref<1024xf32, #tpu.memory_space<vmem>>, vector<16xf32>,
        %parallel_loop3A_240 = arith.constant 4 : i32
        %parallel_loop3A_241 = arith.constant 0 : i32
        %parallel_loop3A_242 = tpu.memref_slice %arg9[%parallel_loop3A_240, %parallel_loop3A_241] : memref<8x1024xf32, #tpu.memory_space<vmem>> -> memref<1x1024xf32, #tpu.memory_space<vmem>>
        %parallel_loop3A_243 = tpu.memref_squeeze %parallel_loop3A_242 : memref<1x1024xf32, #tpu.memory_space<vmem>> -> memref<1024xf32, #tpu.memory_space<vmem>>
        %parallel_loop3A_244 = arith.index_cast %parallel_loop3A_179 : i32 to index
        %parallel_loop3A_245 = tpu.vector_load %parallel_loop3A_243[%parallel_loop3A_244] {strides = array<i32>} : memref<1024xf32, #tpu.memory_space<vmem>>, vector<16xf32>,
        %parallel_loop3A_246 = vector.shape_cast %parallel_loop3A_245 : vector<16xf32> to vector<16xf32>
        %parallel_loop3A_247 = arith.constant 4 : i32
        %parallel_loop3A_248 = arith.constant 0 : i32
        %parallel_loop3A_249 = tpu.memref_slice %arg5[%parallel_loop3A_247, %parallel_loop3A_248] : memref<8x1024xf32, #tpu.memory_space<vmem>> -> memref<1x1024xf32, #tpu.memory_space<vmem>>
        %parallel_loop3A_250 = tpu.memref_squeeze %parallel_loop3A_249 : memref<1x1024xf32, #tpu.memory_space<vmem>> -> memref<1024xf32, #tpu.memory_space<vmem>>
        %parallel_loop3A_251 = arith.index_cast %parallel_loop3A_179 : i32 to index
        %parallel_loop3A_252 = tpu.vector_load %parallel_loop3A_250[%parallel_loop3A_251] {strides = array<i32>} : memref<1024xf32, #tpu.memory_space<vmem>>, vector<16xf32>,
        %parallel_loop3A_253 = vector.shape_cast %parallel_loop3A_252 : vector<16xf32> to vector<16xf32>
        %parallel_loop3A_254 = vector.shape_cast %parallel_loop3A_246 : vector<16xf32> to vector<16xf32>
        tpu.vector_store %parallel_loop3A_250[%parallel_loop3A_251], %parallel_loop3A_254 {add = true, strides = array<i32>} : memref<1024xf32, #tpu.memory_space<vmem>>, vector<16xf32>,
        %parallel_loop3A_255 = arith.constant 5 : i32
        %parallel_loop3A_256 = arith.constant 0 : i32
        %parallel_loop3A_257 = tpu.memref_slice %arg9[%parallel_loop3A_255, %parallel_loop3A_256] : memref<8x1024xf32, #tpu.memory_space<vmem>> -> memref<1x1024xf32, #tpu.memory_space<vmem>>
        %parallel_loop3A_258 = tpu.memref_squeeze %parallel_loop3A_257 : memref<1x1024xf32, #tpu.memory_space<vmem>> -> memref<1024xf32, #tpu.memory_space<vmem>>
        %parallel_loop3A_259 = arith.index_cast %parallel_loop3A_179 : i32 to index
        %parallel_loop3A_260 = tpu.vector_load %parallel_loop3A_258[%parallel_loop3A_259] {strides = array<i32>} : memref<1024xf32, #tpu.memory_space<vmem>>, vector<16xf32>,
        %parallel_loop3A_261 = vector.shape_cast %parallel_loop3A_260 : vector<16xf32> to vector<16xf32>
        %parallel_loop3A_262 = arith.constant 5 : i32
        %parallel_loop3A_263 = arith.constant 0 : i32
        %parallel_loop3A_264 = tpu.memref_slice %arg5[%parallel_loop3A_262, %parallel_loop3A_263] : memref<8x1024xf32, #tpu.memory_space<vmem>> -> memref<1x1024xf32, #tpu.memory_space<vmem>>
        %parallel_loop3A_265 = tpu.memref_squeeze %parallel_loop3A_264 : memref<1x1024xf32, #tpu.memory_space<vmem>> -> memref<1024xf32, #tpu.memory_space<vmem>>
        %parallel_loop3A_266 = arith.index_cast %parallel_loop3A_179 : i32 to index
        %parallel_loop3A_267 = tpu.vector_load %parallel_loop3A_265[%parallel_loop3A_266] {strides = array<i32>} : memref<1024xf32, #tpu.memory_space<vmem>>, vector<16xf32>,
        %parallel_loop3A_268 = vector.shape_cast %parallel_loop3A_267 : vector<16xf32> to vector<16xf32>
        %parallel_loop3A_269 = vector.shape_cast %parallel_loop3A_261 : vector<16xf32> to vector<16xf32>
        tpu.vector_store %parallel_loop3A_265[%parallel_loop3A_266], %parallel_loop3A_269 {add = true, strides = array<i32>} : memref<1024xf32, #tpu.memory_space<vmem>>, vector<16xf32>,
        %parallel_loop3A_270 = arith.constant 6 : i32
        %parallel_loop3A_271 = arith.constant 0 : i32
        %parallel_loop3A_272 = tpu.memref_slice %arg9[%parallel_loop3A_270, %parallel_loop3A_271] : memref<8x1024xf32, #tpu.memory_space<vmem>> -> memref<1x1024xf32, #tpu.memory_space<vmem>>
        %parallel_loop3A_273 = tpu.memref_squeeze %parallel_loop3A_272 : memref<1x1024xf32, #tpu.memory_space<vmem>> -> memref<1024xf32, #tpu.memory_space<vmem>>
        %parallel_loop3A_274 = arith.index_cast %parallel_loop3A_179 : i32 to index
        %parallel_loop3A_275 = tpu.vector_load %parallel_loop3A_273[%parallel_loop3A_274] {strides = array<i32>} : memref<1024xf32, #tpu.memory_space<vmem>>, vector<16xf32>,
        %parallel_loop3A_276 = vector.shape_cast %parallel_loop3A_275 : vector<16xf32> to vector<16xf32>
        %parallel_loop3A_277 = arith.constant 6 : i32
        %parallel_loop3A_278 = arith.constant 0 : i32
        %parallel_loop3A_279 = tpu.memref_slice %arg5[%parallel_loop3A_277, %parallel_loop3A_278] : memref<8x1024xf32, #tpu.memory_space<vmem>> -> memref<1x1024xf32, #tpu.memory_space<vmem>>
        %parallel_loop3A_280 = tpu.memref_squeeze %parallel_loop3A_279 : memref<1x1024xf32, #tpu.memory_space<vmem>> -> memref<1024xf32, #tpu.memory_space<vmem>>
        %parallel_loop3A_281 = arith.index_cast %parallel_loop3A_179 : i32 to index
        %parallel_loop3A_282 = tpu.vector_load %parallel_loop3A_280[%parallel_loop3A_281] {strides = array<i32>} : memref<1024xf32, #tpu.memory_space<vmem>>, vector<16xf32>,
        %parallel_loop3A_283 = vector.shape_cast %parallel_loop3A_282 : vector<16xf32> to vector<16xf32>
        %parallel_loop3A_284 = vector.shape_cast %parallel_loop3A_276 : vector<16xf32> to vector<16xf32>
        tpu.vector_store %parallel_loop3A_280[%parallel_loop3A_281], %parallel_loop3A_284 {add = true, strides = array<i32>} : memref<1024xf32, #tpu.memory_space<vmem>>, vector<16xf32>,
        %parallel_loop3A_285 = arith.constant 7 : i32
        %parallel_loop3A_286 = arith.constant 0 : i32
        %parallel_loop3A_287 = tpu.memref_slice %arg9[%parallel_loop3A_285, %parallel_loop3A_286] : memref<8x1024xf32, #tpu.memory_space<vmem>> -> memref<1x1024xf32, #tpu.memory_space<vmem>>
        %parallel_loop3A_288 = tpu.memref_squeeze %parallel_loop3A_287 : memref<1x1024xf32, #tpu.memory_space<vmem>> -> memref<1024xf32, #tpu.memory_space<vmem>>
        %parallel_loop3A_289 = arith.index_cast %parallel_loop3A_179 : i32 to index
        %parallel_loop3A_290 = tpu.vector_load %parallel_loop3A_288[%parallel_loop3A_289] {strides = array<i32>} : memref<1024xf32, #tpu.memory_space<vmem>>, vector<16xf32>,
        %parallel_loop3A_291 = vector.shape_cast %parallel_loop3A_290 : vector<16xf32> to vector<16xf32>
        %parallel_loop3A_292 = arith.constant 7 : i32
        %parallel_loop3A_293 = arith.constant 0 : i32
        %parallel_loop3A_294 = tpu.memref_slice %arg5[%parallel_loop3A_292, %parallel_loop3A_293] : memref<8x1024xf32, #tpu.memory_space<vmem>> -> memref<1x1024xf32, #tpu.memory_space<vmem>>
        %parallel_loop3A_295 = tpu.memref_squeeze %parallel_loop3A_294 : memref<1x1024xf32, #tpu.memory_space<vmem>> -> memref<1024xf32, #tpu.memory_space<vmem>>
        %parallel_loop3A_296 = arith.index_cast %parallel_loop3A_179 : i32 to index
        %parallel_loop3A_297 = tpu.vector_load %parallel_loop3A_295[%parallel_loop3A_296] {strides = array<i32>} : memref<1024xf32, #tpu.memory_space<vmem>>, vector<16xf32>,
        %parallel_loop3A_298 = vector.shape_cast %parallel_loop3A_297 : vector<16xf32> to vector<16xf32>
        %parallel_loop3A_299 = vector.shape_cast %parallel_loop3A_291 : vector<16xf32> to vector<16xf32>
        tpu.vector_store %parallel_loop3A_295[%parallel_loop3A_296], %parallel_loop3A_299 {add = true, strides = array<i32>} : memref<1024xf32, #tpu.memory_space<vmem>>, vector<16xf32>,
      } {sc.loop_unroll_factor = 2 : i64, sc.parallel_access}
      %mul3A_79 = arith.constant 8 : i32
      %mul3A_80 = arith.muli %add3A_60, %mul3A_79 : i32
      %add3A_81 = arith.addi %mul3A_2, %mul3A_80 : i32
      %dma_start3A_82 = arith.constant 0 : i32
      %dma_start3A_83 = tpu.memref_slice %arg4[%add3A_81, %dma_start3A_82] : memref<16384x1024xf32, #tpu.memory_space<hbm>> -> memref<8x1024xf32, #tpu.memory_space<hbm>>
      %dma_start3A_84 = arith.constant 0 : i32
      %dma_start3A_85 = tpu.memref_slice %arg4[%add3A_81, %dma_start3A_84] : memref<16384x1024xf32, #tpu.memory_space<hbm>> -> memref<8x1024xf32, #tpu.memory_space<hbm>>
      tpu.enqueue_dma source(%arg5 : memref<8x1024xf32, #tpu.memory_space<vmem>>) target(%dma_start3A_85 : memref<8x1024xf32, #tpu.memory_space<hbm>>) target_semaphore(%arg21 : memref<!tpu.dma_semaphore, #tpu.memory_space<semaphore_mem>>)
      %add3A_86 = arith.constant 1 : i32
      %add3A_87 = arith.addi %add3A_58, %add3A_86 : i32
      %add3A_88 = arith.constant 2 : i32
      %add3A_89 = arith.addi %add3A_87, %add3A_88 : i32
      %lt3A_90 = arith.constant 64 : i32
      %lt3A_91 = arith.cmpi slt, %add3A_89, %lt3A_90 : i32
      %convert_element_type3A_92 = arith.extui %lt3A_91 : i1 to i32
      %cond3A_93 = arith.constant 0 : i32
      %cond3A_94 = arith.cmpi ne, %convert_element_type3A_92, %cond3A_93 : i32
      scf.if %cond3A_94 {
        %ge3A = arith.constant 2 : i32
        %ge3A_179 = arith.cmpi sge, %add3A_87, %ge3A : i32
        %convert_element_type3A_180 = arith.extui %ge3A_179 : i1 to i32
        %cond3A_181 = arith.constant 0 : i32
        %cond3A_182 = arith.cmpi ne, %convert_element_type3A_180, %cond3A_181 : i32
        scf.if %cond3A_182 {
          %dma_wait3A_197 = arith.constant 0 : i32
          %dma_wait3A_198 = arith.constant 0 : i32
          %dma_wait3A_199 = tpu.memref_slice %arg4[%dma_wait3A_197, %dma_wait3A_198] : memref<16384x1024xf32, #tpu.memory_space<hbm>> -> memref<8x1024xf32, #tpu.memory_space<hbm>>
          %dma_wait3A_200 = arith.constant 0 : i32
          %dma_wait3A_201 = arith.constant 0 : i32
          %dma_wait3A_202 = tpu.memref_slice %arg4[%dma_wait3A_200, %dma_wait3A_201] : memref<16384x1024xf32, #tpu.memory_space<hbm>> -> memref<8x1024xf32, #tpu.memory_space<hbm>>
          tpu.wait_dma2 semaphore(%arg24 : memref<!tpu.dma_semaphore, #tpu.memory_space<semaphore_mem>>) src(%arg8 : memref<8x1024xf32, #tpu.memory_space<vmem>>) dst(%dma_wait3A_202 : memref<8x1024xf32, #tpu.memory_space<hbm>>)
        } else {
        }
        %mul3A_183 = arith.constant 8 : i32
        %mul3A_184 = arith.muli %add3A_89, %mul3A_183 : i32
        %add3A_185 = arith.addi %mul3A_2, %mul3A_184 : i32
        %dma_start3A_186 = arith.constant 0 : i32
        %dma_start3A_187 = tpu.memref_slice %arg2[%add3A_185, %dma_start3A_186] : memref<16384x1024xf32, #tpu.memory_space<hbm>> -> memref<8x1024xf32, #tpu.memory_space<hbm>>
        %dma_start3A_188 = arith.constant 0 : i32
        %dma_start3A_189 = tpu.memref_slice %arg2[%add3A_185, %dma_start3A_188] : memref<16384x1024xf32, #tpu.memory_space<hbm>> -> memref<8x1024xf32, #tpu.memory_space<hbm>>
        tpu.enqueue_dma source(%dma_start3A_189 : memref<8x1024xf32, #tpu.memory_space<hbm>>) target(%arg8 : memref<8x1024xf32, #tpu.memory_space<vmem>>) target_semaphore(%arg16 : memref<!tpu.dma_semaphore, #tpu.memory_space<semaphore_mem>>)
        %mul3A_190 = arith.constant 8 : i32
        %mul3A_191 = arith.muli %add3A_89, %mul3A_190 : i32
        %add3A_192 = arith.addi %rem3A_3, %mul3A_191 : i32
        %dma_start3A_193 = arith.constant 0 : i32
        %dma_start3A_194 = tpu.memref_slice %arg3[%add3A_192, %dma_start3A_193] : memref<4096x1024xf32, #tpu.memory_space<hbm>> -> memref<8x1024xf32, #tpu.memory_space<hbm>>
        %dma_start3A_195 = arith.constant 0 : i32
        %dma_start3A_196 = tpu.memref_slice %arg3[%add3A_192, %dma_start3A_195] : memref<4096x1024xf32, #tpu.memory_space<hbm>> -> memref<8x1024xf32, #tpu.memory_space<hbm>>
        tpu.enqueue_dma source(%dma_start3A_196 : memref<8x1024xf32, #tpu.memory_space<hbm>>) target(%arg12 : memref<8x1024xf32, #tpu.memory_space<vmem>>) target_semaphore(%arg20 : memref<!tpu.dma_semaphore, #tpu.memory_space<semaphore_mem>>)
      } else {
      }
      %dma_wait3A_95 = arith.constant 0 : i32
      %dma_wait3A_96 = arith.constant 0 : i32
      %dma_wait3A_97 = tpu.memref_slice %arg2[%dma_wait3A_95, %dma_wait3A_96] : memref<16384x1024xf32, #tpu.memory_space<hbm>> -> memref<8x1024xf32, #tpu.memory_space<hbm>>
      %dma_wait3A_98 = arith.constant 0 : i32
      %dma_wait3A_99 = arith.constant 0 : i32
      %dma_wait3A_100 = tpu.memref_slice %arg2[%dma_wait3A_98, %dma_wait3A_99] : memref<16384x1024xf32, #tpu.memory_space<hbm>> -> memref<8x1024xf32, #tpu.memory_space<hbm>>
      tpu.wait_dma2 semaphore(%arg14 : memref<!tpu.dma_semaphore, #tpu.memory_space<semaphore_mem>>) src(%dma_wait3A_100 : memref<8x1024xf32, #tpu.memory_space<hbm>>) dst(%arg6 : memref<8x1024xf32, #tpu.memory_space<vmem>>)
      %dma_wait3A_101 = arith.constant 0 : i32
      %dma_wait3A_102 = arith.constant 0 : i32
      %dma_wait3A_103 = tpu.memref_slice %arg3[%dma_wait3A_101, %dma_wait3A_102] : memref<4096x1024xf32, #tpu.memory_space<hbm>> -> memref<8x1024xf32, #tpu.memory_space<hbm>>
      %dma_wait3A_104 = arith.constant 0 : i32
      %dma_wait3A_105 = arith.constant 0 : i32
      %dma_wait3A_106 = tpu.memref_slice %arg3[%dma_wait3A_104, %dma_wait3A_105] : memref<4096x1024xf32, #tpu.memory_space<hbm>> -> memref<8x1024xf32, #tpu.memory_space<hbm>>
      tpu.wait_dma2 semaphore(%arg18 : memref<!tpu.dma_semaphore, #tpu.memory_space<semaphore_mem>>) src(%dma_wait3A_106 : memref<8x1024xf32, #tpu.memory_space<hbm>>) dst(%arg10 : memref<8x1024xf32, #tpu.memory_space<vmem>>)
      %parallel_loop3A_107 = arith.constant 0 : i32
      %parallel_loop3A_108 = arith.constant 1024 : i32
      %parallel_loop3A_109 = arith.constant 16 : i32
      scf.for %parallel_loop3A_179 = %parallel_loop3A_107 to %parallel_loop3A_108 step %parallel_loop3A_109  : i32 {
        %parallel_loop3A_180 = arith.constant 0 : i32
        %parallel_loop3A_181 = arith.constant 0 : i32
        %parallel_loop3A_182 = tpu.memref_slice %arg10[%parallel_loop3A_180, %parallel_loop3A_181] : memref<8x1024xf32, #tpu.memory_space<vmem>> -> memref<1x1024xf32, #tpu.memory_space<vmem>>
        %parallel_loop3A_183 = tpu.memref_squeeze %parallel_loop3A_182 : memref<1x1024xf32, #tpu.memory_space<vmem>> -> memref<1024xf32, #tpu.memory_space<vmem>>
        %parallel_loop3A_184 = arith.index_cast %parallel_loop3A_179 : i32 to index
        %parallel_loop3A_185 = tpu.vector_load %parallel_loop3A_183[%parallel_loop3A_184] {strides = array<i32>} : memref<1024xf32, #tpu.memory_space<vmem>>, vector<16xf32>,
        %parallel_loop3A_186 = vector.shape_cast %parallel_loop3A_185 : vector<16xf32> to vector<16xf32>
        %parallel_loop3A_187 = arith.constant 0 : i32
        %parallel_loop3A_188 = arith.constant 0 : i32
        %parallel_loop3A_189 = tpu.memref_slice %arg6[%parallel_loop3A_187, %parallel_loop3A_188] : memref<8x1024xf32, #tpu.memory_space<vmem>> -> memref<1x1024xf32, #tpu.memory_space<vmem>>
        %parallel_loop3A_190 = tpu.memref_squeeze %parallel_loop3A_189 : memref<1x1024xf32, #tpu.memory_space<vmem>> -> memref<1024xf32, #tpu.memory_space<vmem>>
        %parallel_loop3A_191 = arith.index_cast %parallel_loop3A_179 : i32 to index
        %parallel_loop3A_192 = tpu.vector_load %parallel_loop3A_190[%parallel_loop3A_191] {strides = array<i32>} : memref<1024xf32, #tpu.memory_space<vmem>>, vector<16xf32>,
        %parallel_loop3A_193 = vector.shape_cast %parallel_loop3A_192 : vector<16xf32> to vector<16xf32>
        %parallel_loop3A_194 = vector.shape_cast %parallel_loop3A_186 : vector<16xf32> to vector<16xf32>
        tpu.vector_store %parallel_loop3A_190[%parallel_loop3A_191], %parallel_loop3A_194 {add = true, strides = array<i32>} : memref<1024xf32, #tpu.memory_space<vmem>>, vector<16xf32>,
        %parallel_loop3A_195 = arith.constant 1 : i32
        %parallel_loop3A_196 = arith.constant 0 : i32
        %parallel_loop3A_197 = tpu.memref_slice %arg10[%parallel_loop3A_195, %parallel_loop3A_196] : memref<8x1024xf32, #tpu.memory_space<vmem>> -> memref<1x1024xf32, #tpu.memory_space<vmem>>
        %parallel_loop3A_198 = tpu.memref_squeeze %parallel_loop3A_197 : memref<1x1024xf32, #tpu.memory_space<vmem>> -> memref<1024xf32, #tpu.memory_space<vmem>>
        %parallel_loop3A_199 = arith.index_cast %parallel_loop3A_179 : i32 to index
        %parallel_loop3A_200 = tpu.vector_load %parallel_loop3A_198[%parallel_loop3A_199] {strides = array<i32>} : memref<1024xf32, #tpu.memory_space<vmem>>, vector<16xf32>,
        %parallel_loop3A_201 = vector.shape_cast %parallel_loop3A_200 : vector<16xf32> to vector<16xf32>
        %parallel_loop3A_202 = arith.constant 1 : i32
        %parallel_loop3A_203 = arith.constant 0 : i32
        %parallel_loop3A_204 = tpu.memref_slice %arg6[%parallel_loop3A_202, %parallel_loop3A_203] : memref<8x1024xf32, #tpu.memory_space<vmem>> -> memref<1x1024xf32, #tpu.memory_space<vmem>>
        %parallel_loop3A_205 = tpu.memref_squeeze %parallel_loop3A_204 : memref<1x1024xf32, #tpu.memory_space<vmem>> -> memref<1024xf32, #tpu.memory_space<vmem>>
        %parallel_loop3A_206 = arith.index_cast %parallel_loop3A_179 : i32 to index
        %parallel_loop3A_207 = tpu.vector_load %parallel_loop3A_205[%parallel_loop3A_206] {strides = array<i32>} : memref<1024xf32, #tpu.memory_space<vmem>>, vector<16xf32>,
        %parallel_loop3A_208 = vector.shape_cast %parallel_loop3A_207 : vector<16xf32> to vector<16xf32>
        %parallel_loop3A_209 = vector.shape_cast %parallel_loop3A_201 : vector<16xf32> to vector<16xf32>
        tpu.vector_store %parallel_loop3A_205[%parallel_loop3A_206], %parallel_loop3A_209 {add = true, strides = array<i32>} : memref<1024xf32, #tpu.memory_space<vmem>>, vector<16xf32>,
        %parallel_loop3A_210 = arith.constant 2 : i32
        %parallel_loop3A_211 = arith.constant 0 : i32
        %parallel_loop3A_212 = tpu.memref_slice %arg10[%parallel_loop3A_210, %parallel_loop3A_211] : memref<8x1024xf32, #tpu.memory_space<vmem>> -> memref<1x1024xf32, #tpu.memory_space<vmem>>
        %parallel_loop3A_213 = tpu.memref_squeeze %parallel_loop3A_212 : memref<1x1024xf32, #tpu.memory_space<vmem>> -> memref<1024xf32, #tpu.memory_space<vmem>>
        %parallel_loop3A_214 = arith.index_cast %parallel_loop3A_179 : i32 to index
        %parallel_loop3A_215 = tpu.vector_load %parallel_loop3A_213[%parallel_loop3A_214] {strides = array<i32>} : memref<1024xf32, #tpu.memory_space<vmem>>, vector<16xf32>,
        %parallel_loop3A_216 = vector.shape_cast %parallel_loop3A_215 : vector<16xf32> to vector<16xf32>
        %parallel_loop3A_217 = arith.constant 2 : i32
        %parallel_loop3A_218 = arith.constant 0 : i32
        %parallel_loop3A_219 = tpu.memref_slice %arg6[%parallel_loop3A_217, %parallel_loop3A_218] : memref<8x1024xf32, #tpu.memory_space<vmem>> -> memref<1x1024xf32, #tpu.memory_space<vmem>>
        %parallel_loop3A_220 = tpu.memref_squeeze %parallel_loop3A_219 : memref<1x1024xf32, #tpu.memory_space<vmem>> -> memref<1024xf32, #tpu.memory_space<vmem>>
        %parallel_loop3A_221 = arith.index_cast %parallel_loop3A_179 : i32 to index
        %parallel_loop3A_222 = tpu.vector_load %parallel_loop3A_220[%parallel_loop3A_221] {strides = array<i32>} : memref<1024xf32, #tpu.memory_space<vmem>>, vector<16xf32>,
        %parallel_loop3A_223 = vector.shape_cast %parallel_loop3A_222 : vector<16xf32> to vector<16xf32>
        %parallel_loop3A_224 = vector.shape_cast %parallel_loop3A_216 : vector<16xf32> to vector<16xf32>
        tpu.vector_store %parallel_loop3A_220[%parallel_loop3A_221], %parallel_loop3A_224 {add = true, strides = array<i32>} : memref<1024xf32, #tpu.memory_space<vmem>>, vector<16xf32>,
        %parallel_loop3A_225 = arith.constant 3 : i32
        %parallel_loop3A_226 = arith.constant 0 : i32
        %parallel_loop3A_227 = tpu.memref_slice %arg10[%parallel_loop3A_225, %parallel_loop3A_226] : memref<8x1024xf32, #tpu.memory_space<vmem>> -> memref<1x1024xf32, #tpu.memory_space<vmem>>
        %parallel_loop3A_228 = tpu.memref_squeeze %parallel_loop3A_227 : memref<1x1024xf32, #tpu.memory_space<vmem>> -> memref<1024xf32, #tpu.memory_space<vmem>>
        %parallel_loop3A_229 = arith.index_cast %parallel_loop3A_179 : i32 to index
        %parallel_loop3A_230 = tpu.vector_load %parallel_loop3A_228[%parallel_loop3A_229] {strides = array<i32>} : memref<1024xf32, #tpu.memory_space<vmem>>, vector<16xf32>,
        %parallel_loop3A_231 = vector.shape_cast %parallel_loop3A_230 : vector<16xf32> to vector<16xf32>
        %parallel_loop3A_232 = arith.constant 3 : i32
        %parallel_loop3A_233 = arith.constant 0 : i32
        %parallel_loop3A_234 = tpu.memref_slice %arg6[%parallel_loop3A_232, %parallel_loop3A_233] : memref<8x1024xf32, #tpu.memory_space<vmem>> -> memref<1x1024xf32, #tpu.memory_space<vmem>>
        %parallel_loop3A_235 = tpu.memref_squeeze %parallel_loop3A_234 : memref<1x1024xf32, #tpu.memory_space<vmem>> -> memref<1024xf32, #tpu.memory_space<vmem>>
        %parallel_loop3A_236 = arith.index_cast %parallel_loop3A_179 : i32 to index
        %parallel_loop3A_237 = tpu.vector_load %parallel_loop3A_235[%parallel_loop3A_236] {strides = array<i32>} : memref<1024xf32, #tpu.memory_space<vmem>>, vector<16xf32>,
        %parallel_loop3A_238 = vector.shape_cast %parallel_loop3A_237 : vector<16xf32> to vector<16xf32>
        %parallel_loop3A_239 = vector.shape_cast %parallel_loop3A_231 : vector<16xf32> to vector<16xf32>
        tpu.vector_store %parallel_loop3A_235[%parallel_loop3A_236], %parallel_loop3A_239 {add = true, strides = array<i32>} : memref<1024xf32, #tpu.memory_space<vmem>>, vector<16xf32>,
        %parallel_loop3A_240 = arith.constant 4 : i32
        %parallel_loop3A_241 = arith.constant 0 : i32
        %parallel_loop3A_242 = tpu.memref_slice %arg10[%parallel_loop3A_240, %parallel_loop3A_241] : memref<8x1024xf32, #tpu.memory_space<vmem>> -> memref<1x1024xf32, #tpu.memory_space<vmem>>
        %parallel_loop3A_243 = tpu.memref_squeeze %parallel_loop3A_242 : memref<1x1024xf32, #tpu.memory_space<vmem>> -> memref<1024xf32, #tpu.memory_space<vmem>>
        %parallel_loop3A_244 = arith.index_cast %parallel_loop3A_179 : i32 to index
        %parallel_loop3A_245 = tpu.vector_load %parallel_loop3A_243[%parallel_loop3A_244] {strides = array<i32>} : memref<1024xf32, #tpu.memory_space<vmem>>, vector<16xf32>,
        %parallel_loop3A_246 = vector.shape_cast %parallel_loop3A_245 : vector<16xf32> to vector<16xf32>
        %parallel_loop3A_247 = arith.constant 4 : i32
        %parallel_loop3A_248 = arith.constant 0 : i32
        %parallel_loop3A_249 = tpu.memref_slice %arg6[%parallel_loop3A_247, %parallel_loop3A_248] : memref<8x1024xf32, #tpu.memory_space<vmem>> -> memref<1x1024xf32, #tpu.memory_space<vmem>>
        %parallel_loop3A_250 = tpu.memref_squeeze %parallel_loop3A_249 : memref<1x1024xf32, #tpu.memory_space<vmem>> -> memref<1024xf32, #tpu.memory_space<vmem>>
        %parallel_loop3A_251 = arith.index_cast %parallel_loop3A_179 : i32 to index
        %parallel_loop3A_252 = tpu.vector_load %parallel_loop3A_250[%parallel_loop3A_251] {strides = array<i32>} : memref<1024xf32, #tpu.memory_space<vmem>>, vector<16xf32>,
        %parallel_loop3A_253 = vector.shape_cast %parallel_loop3A_252 : vector<16xf32> to vector<16xf32>
        %parallel_loop3A_254 = vector.shape_cast %parallel_loop3A_246 : vector<16xf32> to vector<16xf32>
        tpu.vector_store %parallel_loop3A_250[%parallel_loop3A_251], %parallel_loop3A_254 {add = true, strides = array<i32>} : memref<1024xf32, #tpu.memory_space<vmem>>, vector<16xf32>,
        %parallel_loop3A_255 = arith.constant 5 : i32
        %parallel_loop3A_256 = arith.constant 0 : i32
        %parallel_loop3A_257 = tpu.memref_slice %arg10[%parallel_loop3A_255, %parallel_loop3A_256] : memref<8x1024xf32, #tpu.memory_space<vmem>> -> memref<1x1024xf32, #tpu.memory_space<vmem>>
        %parallel_loop3A_258 = tpu.memref_squeeze %parallel_loop3A_257 : memref<1x1024xf32, #tpu.memory_space<vmem>> -> memref<1024xf32, #tpu.memory_space<vmem>>
        %parallel_loop3A_259 = arith.index_cast %parallel_loop3A_179 : i32 to index
        %parallel_loop3A_260 = tpu.vector_load %parallel_loop3A_258[%parallel_loop3A_259] {strides = array<i32>} : memref<1024xf32, #tpu.memory_space<vmem>>, vector<16xf32>,
        %parallel_loop3A_261 = vector.shape_cast %parallel_loop3A_260 : vector<16xf32> to vector<16xf32>
        %parallel_loop3A_262 = arith.constant 5 : i32
        %parallel_loop3A_263 = arith.constant 0 : i32
        %parallel_loop3A_264 = tpu.memref_slice %arg6[%parallel_loop3A_262, %parallel_loop3A_263] : memref<8x1024xf32, #tpu.memory_space<vmem>> -> memref<1x1024xf32, #tpu.memory_space<vmem>>
        %parallel_loop3A_265 = tpu.memref_squeeze %parallel_loop3A_264 : memref<1x1024xf32, #tpu.memory_space<vmem>> -> memref<1024xf32, #tpu.memory_space<vmem>>
        %parallel_loop3A_266 = arith.index_cast %parallel_loop3A_179 : i32 to index
        %parallel_loop3A_267 = tpu.vector_load %parallel_loop3A_265[%parallel_loop3A_266] {strides = array<i32>} : memref<1024xf32, #tpu.memory_space<vmem>>, vector<16xf32>,
        %parallel_loop3A_268 = vector.shape_cast %parallel_loop3A_267 : vector<16xf32> to vector<16xf32>
        %parallel_loop3A_269 = vector.shape_cast %parallel_loop3A_261 : vector<16xf32> to vector<16xf32>
        tpu.vector_store %parallel_loop3A_265[%parallel_loop3A_266], %parallel_loop3A_269 {add = true, strides = array<i32>} : memref<1024xf32, #tpu.memory_space<vmem>>, vector<16xf32>,
        %parallel_loop3A_270 = arith.constant 6 : i32
        %parallel_loop3A_271 = arith.constant 0 : i32
        %parallel_loop3A_272 = tpu.memref_slice %arg10[%parallel_loop3A_270, %parallel_loop3A_271] : memref<8x1024xf32, #tpu.memory_space<vmem>> -> memref<1x1024xf32, #tpu.memory_space<vmem>>
        %parallel_loop3A_273 = tpu.memref_squeeze %parallel_loop3A_272 : memref<1x1024xf32, #tpu.memory_space<vmem>> -> memref<1024xf32, #tpu.memory_space<vmem>>
        %parallel_loop3A_274 = arith.index_cast %parallel_loop3A_179 : i32 to index
        %parallel_loop3A_275 = tpu.vector_load %parallel_loop3A_273[%parallel_loop3A_274] {strides = array<i32>} : memref<1024xf32, #tpu.memory_space<vmem>>, vector<16xf32>,
        %parallel_loop3A_276 = vector.shape_cast %parallel_loop3A_275 : vector<16xf32> to vector<16xf32>
        %parallel_loop3A_277 = arith.constant 6 : i32
        %parallel_loop3A_278 = arith.constant 0 : i32
        %parallel_loop3A_279 = tpu.memref_slice %arg6[%parallel_loop3A_277, %parallel_loop3A_278] : memref<8x1024xf32, #tpu.memory_space<vmem>> -> memref<1x1024xf32, #tpu.memory_space<vmem>>
        %parallel_loop3A_280 = tpu.memref_squeeze %parallel_loop3A_279 : memref<1x1024xf32, #tpu.memory_space<vmem>> -> memref<1024xf32, #tpu.memory_space<vmem>>
        %parallel_loop3A_281 = arith.index_cast %parallel_loop3A_179 : i32 to index
        %parallel_loop3A_282 = tpu.vector_load %parallel_loop3A_280[%parallel_loop3A_281] {strides = array<i32>} : memref<1024xf32, #tpu.memory_space<vmem>>, vector<16xf32>,
        %parallel_loop3A_283 = vector.shape_cast %parallel_loop3A_282 : vector<16xf32> to vector<16xf32>
        %parallel_loop3A_284 = vector.shape_cast %parallel_loop3A_276 : vector<16xf32> to vector<16xf32>
        tpu.vector_store %parallel_loop3A_280[%parallel_loop3A_281], %parallel_loop3A_284 {add = true, strides = array<i32>} : memref<1024xf32, #tpu.memory_space<vmem>>, vector<16xf32>,
        %parallel_loop3A_285 = arith.constant 7 : i32
        %parallel_loop3A_286 = arith.constant 0 : i32
        %parallel_loop3A_287 = tpu.memref_slice %arg10[%parallel_loop3A_285, %parallel_loop3A_286] : memref<8x1024xf32, #tpu.memory_space<vmem>> -> memref<1x1024xf32, #tpu.memory_space<vmem>>
        %parallel_loop3A_288 = tpu.memref_squeeze %parallel_loop3A_287 : memref<1x1024xf32, #tpu.memory_space<vmem>> -> memref<1024xf32, #tpu.memory_space<vmem>>
        %parallel_loop3A_289 = arith.index_cast %parallel_loop3A_179 : i32 to index
        %parallel_loop3A_290 = tpu.vector_load %parallel_loop3A_288[%parallel_loop3A_289] {strides = array<i32>} : memref<1024xf32, #tpu.memory_space<vmem>>, vector<16xf32>,
        %parallel_loop3A_291 = vector.shape_cast %parallel_loop3A_290 : vector<16xf32> to vector<16xf32>
        %parallel_loop3A_292 = arith.constant 7 : i32
        %parallel_loop3A_293 = arith.constant 0 : i32
        %parallel_loop3A_294 = tpu.memref_slice %arg6[%parallel_loop3A_292, %parallel_loop3A_293] : memref<8x1024xf32, #tpu.memory_space<vmem>> -> memref<1x1024xf32, #tpu.memory_space<vmem>>
        %parallel_loop3A_295 = tpu.memref_squeeze %parallel_loop3A_294 : memref<1x1024xf32, #tpu.memory_space<vmem>> -> memref<1024xf32, #tpu.memory_space<vmem>>
        %parallel_loop3A_296 = arith.index_cast %parallel_loop3A_179 : i32 to index
        %parallel_loop3A_297 = tpu.vector_load %parallel_loop3A_295[%parallel_loop3A_296] {strides = array<i32>} : memref<1024xf32, #tpu.memory_space<vmem>>, vector<16xf32>,
        %parallel_loop3A_298 = vector.shape_cast %parallel_loop3A_297 : vector<16xf32> to vector<16xf32>
        %parallel_loop3A_299 = vector.shape_cast %parallel_loop3A_291 : vector<16xf32> to vector<16xf32>
        tpu.vector_store %parallel_loop3A_295[%parallel_loop3A_296], %parallel_loop3A_299 {add = true, strides = array<i32>} : memref<1024xf32, #tpu.memory_space<vmem>>, vector<16xf32>,
      } {sc.loop_unroll_factor = 2 : i64, sc.parallel_access}
      %mul3A_110 = arith.constant 8 : i32
      %mul3A_111 = arith.muli %add3A_87, %mul3A_110 : i32
      %add3A_112 = arith.addi %mul3A_2, %mul3A_111 : i32
      %dma_start3A_113 = arith.constant 0 : i32
      %dma_start3A_114 = tpu.memref_slice %arg4[%add3A_112, %dma_start3A_113] : memref<16384x1024xf32, #tpu.memory_space<hbm>> -> memref<8x1024xf32, #tpu.memory_space<hbm>>
      %dma_start3A_115 = arith.constant 0 : i32
      %dma_start3A_116 = tpu.memref_slice %arg4[%add3A_112, %dma_start3A_115] : memref<16384x1024xf32, #tpu.memory_space<hbm>> -> memref<8x1024xf32, #tpu.memory_space<hbm>>
      tpu.enqueue_dma source(%arg6 : memref<8x1024xf32, #tpu.memory_space<vmem>>) target(%dma_start3A_116 : memref<8x1024xf32, #tpu.memory_space<hbm>>) target_semaphore(%arg22 : memref<!tpu.dma_semaphore, #tpu.memory_space<semaphore_mem>>)
      %add3A_117 = arith.constant 2 : i32
      %add3A_118 = arith.addi %add3A_58, %add3A_117 : i32
      %add3A_119 = arith.constant 2 : i32
      %add3A_120 = arith.addi %add3A_118, %add3A_119 : i32
      %lt3A_121 = arith.constant 64 : i32
      %lt3A_122 = arith.cmpi slt, %add3A_120, %lt3A_121 : i32
      %convert_element_type3A_123 = arith.extui %lt3A_122 : i1 to i32
      %cond3A_124 = arith.constant 0 : i32
      %cond3A_125 = arith.cmpi ne, %convert_element_type3A_123, %cond3A_124 : i32
      scf.if %cond3A_125 {
        %ge3A = arith.constant 2 : i32
        %ge3A_179 = arith.cmpi sge, %add3A_118, %ge3A : i32
        %convert_element_type3A_180 = arith.extui %ge3A_179 : i1 to i32
        %cond3A_181 = arith.constant 0 : i32
        %cond3A_182 = arith.cmpi ne, %convert_element_type3A_180, %cond3A_181 : i32
        scf.if %cond3A_182 {
          %dma_wait3A_197 = arith.constant 0 : i32
          %dma_wait3A_198 = arith.constant 0 : i32
          %dma_wait3A_199 = tpu.memref_slice %arg4[%dma_wait3A_197, %dma_wait3A_198] : memref<16384x1024xf32, #tpu.memory_space<hbm>> -> memref<8x1024xf32, #tpu.memory_space<hbm>>
          %dma_wait3A_200 = arith.constant 0 : i32
          %dma_wait3A_201 = arith.constant 0 : i32
          %dma_wait3A_202 = tpu.memref_slice %arg4[%dma_wait3A_200, %dma_wait3A_201] : memref<16384x1024xf32, #tpu.memory_space<hbm>> -> memref<8x1024xf32, #tpu.memory_space<hbm>>
          tpu.wait_dma2 semaphore(%arg21 : memref<!tpu.dma_semaphore, #tpu.memory_space<semaphore_mem>>) src(%arg5 : memref<8x1024xf32, #tpu.memory_space<vmem>>) dst(%dma_wait3A_202 : memref<8x1024xf32, #tpu.memory_space<hbm>>)
        } else {
        }
        %mul3A_183 = arith.constant 8 : i32
        %mul3A_184 = arith.muli %add3A_120, %mul3A_183 : i32
        %add3A_185 = arith.addi %mul3A_2, %mul3A_184 : i32
        %dma_start3A_186 = arith.constant 0 : i32
        %dma_start3A_187 = tpu.memref_slice %arg2[%add3A_185, %dma_start3A_186] : memref<16384x1024xf32, #tpu.memory_space<hbm>> -> memref<8x1024xf32, #tpu.memory_space<hbm>>
        %dma_start3A_188 = arith.constant 0 : i32
        %dma_start3A_189 = tpu.memref_slice %arg2[%add3A_185, %dma_start3A_188] : memref<16384x1024xf32, #tpu.memory_space<hbm>> -> memref<8x1024xf32, #tpu.memory_space<hbm>>
        tpu.enqueue_dma source(%dma_start3A_189 : memref<8x1024xf32, #tpu.memory_space<hbm>>) target(%arg5 : memref<8x1024xf32, #tpu.memory_space<vmem>>) target_semaphore(%arg13 : memref<!tpu.dma_semaphore, #tpu.memory_space<semaphore_mem>>)
        %mul3A_190 = arith.constant 8 : i32
        %mul3A_191 = arith.muli %add3A_120, %mul3A_190 : i32
        %add3A_192 = arith.addi %rem3A_3, %mul3A_191 : i32
        %dma_start3A_193 = arith.constant 0 : i32
        %dma_start3A_194 = tpu.memref_slice %arg3[%add3A_192, %dma_start3A_193] : memref<4096x1024xf32, #tpu.memory_space<hbm>> -> memref<8x1024xf32, #tpu.memory_space<hbm>>
        %dma_start3A_195 = arith.constant 0 : i32
        %dma_start3A_196 = tpu.memref_slice %arg3[%add3A_192, %dma_start3A_195] : memref<4096x1024xf32, #tpu.memory_space<hbm>> -> memref<8x1024xf32, #tpu.memory_space<hbm>>
        tpu.enqueue_dma source(%dma_start3A_196 : memref<8x1024xf32, #tpu.memory_space<hbm>>) target(%arg9 : memref<8x1024xf32, #tpu.memory_space<vmem>>) target_semaphore(%arg17 : memref<!tpu.dma_semaphore, #tpu.memory_space<semaphore_mem>>)
      } else {
      }
      %dma_wait3A_126 = arith.constant 0 : i32
      %dma_wait3A_127 = arith.constant 0 : i32
      %dma_wait3A_128 = tpu.memref_slice %arg2[%dma_wait3A_126, %dma_wait3A_127] : memref<16384x1024xf32, #tpu.memory_space<hbm>> -> memref<8x1024xf32, #tpu.memory_space<hbm>>
      %dma_wait3A_129 = arith.constant 0 : i32
      %dma_wait3A_130 = arith.constant 0 : i32
      %dma_wait3A_131 = tpu.memref_slice %arg2[%dma_wait3A_129, %dma_wait3A_130] : memref<16384x1024xf32, #tpu.memory_space<hbm>> -> memref<8x1024xf32, #tpu.memory_space<hbm>>
      tpu.wait_dma2 semaphore(%arg15 : memref<!tpu.dma_semaphore, #tpu.memory_space<semaphore_mem>>) src(%dma_wait3A_131 : memref<8x1024xf32, #tpu.memory_space<hbm>>) dst(%arg7 : memref<8x1024xf32, #tpu.memory_space<vmem>>)
      %dma_wait3A_132 = arith.constant 0 : i32
      %dma_wait3A_133 = arith.constant 0 : i32
      %dma_wait3A_134 = tpu.memref_slice %arg3[%dma_wait3A_132, %dma_wait3A_133] : memref<4096x1024xf32, #tpu.memory_space<hbm>> -> memref<8x1024xf32, #tpu.memory_space<hbm>>
      %dma_wait3A_135 = arith.constant 0 : i32
      %dma_wait3A_136 = arith.constant 0 : i32
      %dma_wait3A_137 = tpu.memref_slice %arg3[%dma_wait3A_135, %dma_wait3A_136] : memref<4096x1024xf32, #tpu.memory_space<hbm>> -> memref<8x1024xf32, #tpu.memory_space<hbm>>
      tpu.wait_dma2 semaphore(%arg19 : memref<!tpu.dma_semaphore, #tpu.memory_space<semaphore_mem>>) src(%dma_wait3A_137 : memref<8x1024xf32, #tpu.memory_space<hbm>>) dst(%arg11 : memref<8x1024xf32, #tpu.memory_space<vmem>>)
      %parallel_loop3A_138 = arith.constant 0 : i32
      %parallel_loop3A_139 = arith.constant 1024 : i32
      %parallel_loop3A_140 = arith.constant 16 : i32
      scf.for %parallel_loop3A_179 = %parallel_loop3A_138 to %parallel_loop3A_139 step %parallel_loop3A_140  : i32 {
        %parallel_loop3A_180 = arith.constant 0 : i32
        %parallel_loop3A_181 = arith.constant 0 : i32
        %parallel_loop3A_182 = tpu.memref_slice %arg11[%parallel_loop3A_180, %parallel_loop3A_181] : memref<8x1024xf32, #tpu.memory_space<vmem>> -> memref<1x1024xf32, #tpu.memory_space<vmem>>
        %parallel_loop3A_183 = tpu.memref_squeeze %parallel_loop3A_182 : memref<1x1024xf32, #tpu.memory_space<vmem>> -> memref<1024xf32, #tpu.memory_space<vmem>>
        %parallel_loop3A_184 = arith.index_cast %parallel_loop3A_179 : i32 to index
        %parallel_loop3A_185 = tpu.vector_load %parallel_loop3A_183[%parallel_loop3A_184] {strides = array<i32>} : memref<1024xf32, #tpu.memory_space<vmem>>, vector<16xf32>,
        %parallel_loop3A_186 = vector.shape_cast %parallel_loop3A_185 : vector<16xf32> to vector<16xf32>
        %parallel_loop3A_187 = arith.constant 0 : i32
        %parallel_loop3A_188 = arith.constant 0 : i32
        %parallel_loop3A_189 = tpu.memref_slice %arg7[%parallel_loop3A_187, %parallel_loop3A_188] : memref<8x1024xf32, #tpu.memory_space<vmem>> -> memref<1x1024xf32, #tpu.memory_space<vmem>>
        %parallel_loop3A_190 = tpu.memref_squeeze %parallel_loop3A_189 : memref<1x1024xf32, #tpu.memory_space<vmem>> -> memref<1024xf32, #tpu.memory_space<vmem>>
        %parallel_loop3A_191 = arith.index_cast %parallel_loop3A_179 : i32 to index
        %parallel_loop3A_192 = tpu.vector_load %parallel_loop3A_190[%parallel_loop3A_191] {strides = array<i32>} : memref<1024xf32, #tpu.memory_space<vmem>>, vector<16xf32>,
        %parallel_loop3A_193 = vector.shape_cast %parallel_loop3A_192 : vector<16xf32> to vector<16xf32>
        %parallel_loop3A_194 = vector.shape_cast %parallel_loop3A_186 : vector<16xf32> to vector<16xf32>
        tpu.vector_store %parallel_loop3A_190[%parallel_loop3A_191], %parallel_loop3A_194 {add = true, strides = array<i32>} : memref<1024xf32, #tpu.memory_space<vmem>>, vector<16xf32>,
        %parallel_loop3A_195 = arith.constant 1 : i32
        %parallel_loop3A_196 = arith.constant 0 : i32
        %parallel_loop3A_197 = tpu.memref_slice %arg11[%parallel_loop3A_195, %parallel_loop3A_196] : memref<8x1024xf32, #tpu.memory_space<vmem>> -> memref<1x1024xf32, #tpu.memory_space<vmem>>
        %parallel_loop3A_198 = tpu.memref_squeeze %parallel_loop3A_197 : memref<1x1024xf32, #tpu.memory_space<vmem>> -> memref<1024xf32, #tpu.memory_space<vmem>>
        %parallel_loop3A_199 = arith.index_cast %parallel_loop3A_179 : i32 to index
        %parallel_loop3A_200 = tpu.vector_load %parallel_loop3A_198[%parallel_loop3A_199] {strides = array<i32>} : memref<1024xf32, #tpu.memory_space<vmem>>, vector<16xf32>,
        %parallel_loop3A_201 = vector.shape_cast %parallel_loop3A_200 : vector<16xf32> to vector<16xf32>
        %parallel_loop3A_202 = arith.constant 1 : i32
        %parallel_loop3A_203 = arith.constant 0 : i32
        %parallel_loop3A_204 = tpu.memref_slice %arg7[%parallel_loop3A_202, %parallel_loop3A_203] : memref<8x1024xf32, #tpu.memory_space<vmem>> -> memref<1x1024xf32, #tpu.memory_space<vmem>>
        %parallel_loop3A_205 = tpu.memref_squeeze %parallel_loop3A_204 : memref<1x1024xf32, #tpu.memory_space<vmem>> -> memref<1024xf32, #tpu.memory_space<vmem>>
        %parallel_loop3A_206 = arith.index_cast %parallel_loop3A_179 : i32 to index
        %parallel_loop3A_207 = tpu.vector_load %parallel_loop3A_205[%parallel_loop3A_206] {strides = array<i32>} : memref<1024xf32, #tpu.memory_space<vmem>>, vector<16xf32>,
        %parallel_loop3A_208 = vector.shape_cast %parallel_loop3A_207 : vector<16xf32> to vector<16xf32>
        %parallel_loop3A_209 = vector.shape_cast %parallel_loop3A_201 : vector<16xf32> to vector<16xf32>
        tpu.vector_store %parallel_loop3A_205[%parallel_loop3A_206], %parallel_loop3A_209 {add = true, strides = array<i32>} : memref<1024xf32, #tpu.memory_space<vmem>>, vector<16xf32>,
        %parallel_loop3A_210 = arith.constant 2 : i32
        %parallel_loop3A_211 = arith.constant 0 : i32
        %parallel_loop3A_212 = tpu.memref_slice %arg11[%parallel_loop3A_210, %parallel_loop3A_211] : memref<8x1024xf32, #tpu.memory_space<vmem>> -> memref<1x1024xf32, #tpu.memory_space<vmem>>
        %parallel_loop3A_213 = tpu.memref_squeeze %parallel_loop3A_212 : memref<1x1024xf32, #tpu.memory_space<vmem>> -> memref<1024xf32, #tpu.memory_space<vmem>>
        %parallel_loop3A_214 = arith.index_cast %parallel_loop3A_179 : i32 to index
        %parallel_loop3A_215 = tpu.vector_load %parallel_loop3A_213[%parallel_loop3A_214] {strides = array<i32>} : memref<1024xf32, #tpu.memory_space<vmem>>, vector<16xf32>,
        %parallel_loop3A_216 = vector.shape_cast %parallel_loop3A_215 : vector<16xf32> to vector<16xf32>
        %parallel_loop3A_217 = arith.constant 2 : i32
        %parallel_loop3A_218 = arith.constant 0 : i32
        %parallel_loop3A_219 = tpu.memref_slice %arg7[%parallel_loop3A_217, %parallel_loop3A_218] : memref<8x1024xf32, #tpu.memory_space<vmem>> -> memref<1x1024xf32, #tpu.memory_space<vmem>>
        %parallel_loop3A_220 = tpu.memref_squeeze %parallel_loop3A_219 : memref<1x1024xf32, #tpu.memory_space<vmem>> -> memref<1024xf32, #tpu.memory_space<vmem>>
        %parallel_loop3A_221 = arith.index_cast %parallel_loop3A_179 : i32 to index
        %parallel_loop3A_222 = tpu.vector_load %parallel_loop3A_220[%parallel_loop3A_221] {strides = array<i32>} : memref<1024xf32, #tpu.memory_space<vmem>>, vector<16xf32>,
        %parallel_loop3A_223 = vector.shape_cast %parallel_loop3A_222 : vector<16xf32> to vector<16xf32>
        %parallel_loop3A_224 = vector.shape_cast %parallel_loop3A_216 : vector<16xf32> to vector<16xf32>
        tpu.vector_store %parallel_loop3A_220[%parallel_loop3A_221], %parallel_loop3A_224 {add = true, strides = array<i32>} : memref<1024xf32, #tpu.memory_space<vmem>>, vector<16xf32>,
        %parallel_loop3A_225 = arith.constant 3 : i32
        %parallel_loop3A_226 = arith.constant 0 : i32
        %parallel_loop3A_227 = tpu.memref_slice %arg11[%parallel_loop3A_225, %parallel_loop3A_226] : memref<8x1024xf32, #tpu.memory_space<vmem>> -> memref<1x1024xf32, #tpu.memory_space<vmem>>
        %parallel_loop3A_228 = tpu.memref_squeeze %parallel_loop3A_227 : memref<1x1024xf32, #tpu.memory_space<vmem>> -> memref<1024xf32, #tpu.memory_space<vmem>>
        %parallel_loop3A_229 = arith.index_cast %parallel_loop3A_179 : i32 to index
        %parallel_loop3A_230 = tpu.vector_load %parallel_loop3A_228[%parallel_loop3A_229] {strides = array<i32>} : memref<1024xf32, #tpu.memory_space<vmem>>, vector<16xf32>,
        %parallel_loop3A_231 = vector.shape_cast %parallel_loop3A_230 : vector<16xf32> to vector<16xf32>
        %parallel_loop3A_232 = arith.constant 3 : i32
        %parallel_loop3A_233 = arith.constant 0 : i32
        %parallel_loop3A_234 = tpu.memref_slice %arg7[%parallel_loop3A_232, %parallel_loop3A_233] : memref<8x1024xf32, #tpu.memory_space<vmem>> -> memref<1x1024xf32, #tpu.memory_space<vmem>>
        %parallel_loop3A_235 = tpu.memref_squeeze %parallel_loop3A_234 : memref<1x1024xf32, #tpu.memory_space<vmem>> -> memref<1024xf32, #tpu.memory_space<vmem>>
        %parallel_loop3A_236 = arith.index_cast %parallel_loop3A_179 : i32 to index
        %parallel_loop3A_237 = tpu.vector_load %parallel_loop3A_235[%parallel_loop3A_236] {strides = array<i32>} : memref<1024xf32, #tpu.memory_space<vmem>>, vector<16xf32>,
        %parallel_loop3A_238 = vector.shape_cast %parallel_loop3A_237 : vector<16xf32> to vector<16xf32>
        %parallel_loop3A_239 = vector.shape_cast %parallel_loop3A_231 : vector<16xf32> to vector<16xf32>
        tpu.vector_store %parallel_loop3A_235[%parallel_loop3A_236], %parallel_loop3A_239 {add = true, strides = array<i32>} : memref<1024xf32, #tpu.memory_space<vmem>>, vector<16xf32>,
        %parallel_loop3A_240 = arith.constant 4 : i32
        %parallel_loop3A_241 = arith.constant 0 : i32
        %parallel_loop3A_242 = tpu.memref_slice %arg11[%parallel_loop3A_240, %parallel_loop3A_241] : memref<8x1024xf32, #tpu.memory_space<vmem>> -> memref<1x1024xf32, #tpu.memory_space<vmem>>
        %parallel_loop3A_243 = tpu.memref_squeeze %parallel_loop3A_242 : memref<1x1024xf32, #tpu.memory_space<vmem>> -> memref<1024xf32, #tpu.memory_space<vmem>>
        %parallel_loop3A_244 = arith.index_cast %parallel_loop3A_179 : i32 to index
        %parallel_loop3A_245 = tpu.vector_load %parallel_loop3A_243[%parallel_loop3A_244] {strides = array<i32>} : memref<1024xf32, #tpu.memory_space<vmem>>, vector<16xf32>,
        %parallel_loop3A_246 = vector.shape_cast %parallel_loop3A_245 : vector<16xf32> to vector<16xf32>
        %parallel_loop3A_247 = arith.constant 4 : i32
        %parallel_loop3A_248 = arith.constant 0 : i32
        %parallel_loop3A_249 = tpu.memref_slice %arg7[%parallel_loop3A_247, %parallel_loop3A_248] : memref<8x1024xf32, #tpu.memory_space<vmem>> -> memref<1x1024xf32, #tpu.memory_space<vmem>>
        %parallel_loop3A_250 = tpu.memref_squeeze %parallel_loop3A_249 : memref<1x1024xf32, #tpu.memory_space<vmem>> -> memref<1024xf32, #tpu.memory_space<vmem>>
        %parallel_loop3A_251 = arith.index_cast %parallel_loop3A_179 : i32 to index
        %parallel_loop3A_252 = tpu.vector_load %parallel_loop3A_250[%parallel_loop3A_251] {strides = array<i32>} : memref<1024xf32, #tpu.memory_space<vmem>>, vector<16xf32>,
        %parallel_loop3A_253 = vector.shape_cast %parallel_loop3A_252 : vector<16xf32> to vector<16xf32>
        %parallel_loop3A_254 = vector.shape_cast %parallel_loop3A_246 : vector<16xf32> to vector<16xf32>
        tpu.vector_store %parallel_loop3A_250[%parallel_loop3A_251], %parallel_loop3A_254 {add = true, strides = array<i32>} : memref<1024xf32, #tpu.memory_space<vmem>>, vector<16xf32>,
        %parallel_loop3A_255 = arith.constant 5 : i32
        %parallel_loop3A_256 = arith.constant 0 : i32
        %parallel_loop3A_257 = tpu.memref_slice %arg11[%parallel_loop3A_255, %parallel_loop3A_256] : memref<8x1024xf32, #tpu.memory_space<vmem>> -> memref<1x1024xf32, #tpu.memory_space<vmem>>
        %parallel_loop3A_258 = tpu.memref_squeeze %parallel_loop3A_257 : memref<1x1024xf32, #tpu.memory_space<vmem>> -> memref<1024xf32, #tpu.memory_space<vmem>>
        %parallel_loop3A_259 = arith.index_cast %parallel_loop3A_179 : i32 to index
        %parallel_loop3A_260 = tpu.vector_load %parallel_loop3A_258[%parallel_loop3A_259] {strides = array<i32>} : memref<1024xf32, #tpu.memory_space<vmem>>, vector<16xf32>,
        %parallel_loop3A_261 = vector.shape_cast %parallel_loop3A_260 : vector<16xf32> to vector<16xf32>
        %parallel_loop3A_262 = arith.constant 5 : i32
        %parallel_loop3A_263 = arith.constant 0 : i32
        %parallel_loop3A_264 = tpu.memref_slice %arg7[%parallel_loop3A_262, %parallel_loop3A_263] : memref<8x1024xf32, #tpu.memory_space<vmem>> -> memref<1x1024xf32, #tpu.memory_space<vmem>>
        %parallel_loop3A_265 = tpu.memref_squeeze %parallel_loop3A_264 : memref<1x1024xf32, #tpu.memory_space<vmem>> -> memref<1024xf32, #tpu.memory_space<vmem>>
        %parallel_loop3A_266 = arith.index_cast %parallel_loop3A_179 : i32 to index
        %parallel_loop3A_267 = tpu.vector_load %parallel_loop3A_265[%parallel_loop3A_266] {strides = array<i32>} : memref<1024xf32, #tpu.memory_space<vmem>>, vector<16xf32>,
        %parallel_loop3A_268 = vector.shape_cast %parallel_loop3A_267 : vector<16xf32> to vector<16xf32>
        %parallel_loop3A_269 = vector.shape_cast %parallel_loop3A_261 : vector<16xf32> to vector<16xf32>
        tpu.vector_store %parallel_loop3A_265[%parallel_loop3A_266], %parallel_loop3A_269 {add = true, strides = array<i32>} : memref<1024xf32, #tpu.memory_space<vmem>>, vector<16xf32>,
        %parallel_loop3A_270 = arith.constant 6 : i32
        %parallel_loop3A_271 = arith.constant 0 : i32
        %parallel_loop3A_272 = tpu.memref_slice %arg11[%parallel_loop3A_270, %parallel_loop3A_271] : memref<8x1024xf32, #tpu.memory_space<vmem>> -> memref<1x1024xf32, #tpu.memory_space<vmem>>
        %parallel_loop3A_273 = tpu.memref_squeeze %parallel_loop3A_272 : memref<1x1024xf32, #tpu.memory_space<vmem>> -> memref<1024xf32, #tpu.memory_space<vmem>>
        %parallel_loop3A_274 = arith.index_cast %parallel_loop3A_179 : i32 to index
        %parallel_loop3A_275 = tpu.vector_load %parallel_loop3A_273[%parallel_loop3A_274] {strides = array<i32>} : memref<1024xf32, #tpu.memory_space<vmem>>, vector<16xf32>,
        %parallel_loop3A_276 = vector.shape_cast %parallel_loop3A_275 : vector<16xf32> to vector<16xf32>
        %parallel_loop3A_277 = arith.constant 6 : i32
        %parallel_loop3A_278 = arith.constant 0 : i32
        %parallel_loop3A_279 = tpu.memref_slice %arg7[%parallel_loop3A_277, %parallel_loop3A_278] : memref<8x1024xf32, #tpu.memory_space<vmem>> -> memref<1x1024xf32, #tpu.memory_space<vmem>>
        %parallel_loop3A_280 = tpu.memref_squeeze %parallel_loop3A_279 : memref<1x1024xf32, #tpu.memory_space<vmem>> -> memref<1024xf32, #tpu.memory_space<vmem>>
        %parallel_loop3A_281 = arith.index_cast %parallel_loop3A_179 : i32 to index
        %parallel_loop3A_282 = tpu.vector_load %parallel_loop3A_280[%parallel_loop3A_281] {strides = array<i32>} : memref<1024xf32, #tpu.memory_space<vmem>>, vector<16xf32>,
        %parallel_loop3A_283 = vector.shape_cast %parallel_loop3A_282 : vector<16xf32> to vector<16xf32>
        %parallel_loop3A_284 = vector.shape_cast %parallel_loop3A_276 : vector<16xf32> to vector<16xf32>
        tpu.vector_store %parallel_loop3A_280[%parallel_loop3A_281], %parallel_loop3A_284 {add = true, strides = array<i32>} : memref<1024xf32, #tpu.memory_space<vmem>>, vector<16xf32>,
        %parallel_loop3A_285 = arith.constant 7 : i32
        %parallel_loop3A_286 = arith.constant 0 : i32
        %parallel_loop3A_287 = tpu.memref_slice %arg11[%parallel_loop3A_285, %parallel_loop3A_286] : memref<8x1024xf32, #tpu.memory_space<vmem>> -> memref<1x1024xf32, #tpu.memory_space<vmem>>
        %parallel_loop3A_288 = tpu.memref_squeeze %parallel_loop3A_287 : memref<1x1024xf32, #tpu.memory_space<vmem>> -> memref<1024xf32, #tpu.memory_space<vmem>>
        %parallel_loop3A_289 = arith.index_cast %parallel_loop3A_179 : i32 to index
        %parallel_loop3A_290 = tpu.vector_load %parallel_loop3A_288[%parallel_loop3A_289] {strides = array<i32>} : memref<1024xf32, #tpu.memory_space<vmem>>, vector<16xf32>,
        %parallel_loop3A_291 = vector.shape_cast %parallel_loop3A_290 : vector<16xf32> to vector<16xf32>
        %parallel_loop3A_292 = arith.constant 7 : i32
        %parallel_loop3A_293 = arith.constant 0 : i32
        %parallel_loop3A_294 = tpu.memref_slice %arg7[%parallel_loop3A_292, %parallel_loop3A_293] : memref<8x1024xf32, #tpu.memory_space<vmem>> -> memref<1x1024xf32, #tpu.memory_space<vmem>>
        %parallel_loop3A_295 = tpu.memref_squeeze %parallel_loop3A_294 : memref<1x1024xf32, #tpu.memory_space<vmem>> -> memref<1024xf32, #tpu.memory_space<vmem>>
        %parallel_loop3A_296 = arith.index_cast %parallel_loop3A_179 : i32 to index
        %parallel_loop3A_297 = tpu.vector_load %parallel_loop3A_295[%parallel_loop3A_296] {strides = array<i32>} : memref<1024xf32, #tpu.memory_space<vmem>>, vector<16xf32>,
        %parallel_loop3A_298 = vector.shape_cast %parallel_loop3A_297 : vector<16xf32> to vector<16xf32>
        %parallel_loop3A_299 = vector.shape_cast %parallel_loop3A_291 : vector<16xf32> to vector<16xf32>
        tpu.vector_store %parallel_loop3A_295[%parallel_loop3A_296], %parallel_loop3A_299 {add = true, strides = array<i32>} : memref<1024xf32, #tpu.memory_space<vmem>>, vector<16xf32>,
      } {sc.loop_unroll_factor = 2 : i64, sc.parallel_access}
      %mul3A_141 = arith.constant 8 : i32
      %mul3A_142 = arith.muli %add3A_118, %mul3A_141 : i32
      %add3A_143 = arith.addi %mul3A_2, %mul3A_142 : i32
      %dma_start3A_144 = arith.constant 0 : i32
      %dma_start3A_145 = tpu.memref_slice %arg4[%add3A_143, %dma_start3A_144] : memref<16384x1024xf32, #tpu.memory_space<hbm>> -> memref<8x1024xf32, #tpu.memory_space<hbm>>
      %dma_start3A_146 = arith.constant 0 : i32
      %dma_start3A_147 = tpu.memref_slice %arg4[%add3A_143, %dma_start3A_146] : memref<16384x1024xf32, #tpu.memory_space<hbm>> -> memref<8x1024xf32, #tpu.memory_space<hbm>>
      tpu.enqueue_dma source(%arg7 : memref<8x1024xf32, #tpu.memory_space<vmem>>) target(%dma_start3A_147 : memref<8x1024xf32, #tpu.memory_space<hbm>>) target_semaphore(%arg23 : memref<!tpu.dma_semaphore, #tpu.memory_space<semaphore_mem>>)
      %add3A_148 = arith.constant 3 : i32
      %add3A_149 = arith.addi %add3A_58, %add3A_148 : i32
      %add3A_150 = arith.constant 2 : i32
      %add3A_151 = arith.addi %add3A_149, %add3A_150 : i32
      %lt3A_152 = arith.constant 64 : i32
      %lt3A_153 = arith.cmpi slt, %add3A_151, %lt3A_152 : i32
      %convert_element_type3A_154 = arith.extui %lt3A_153 : i1 to i32
      %cond3A_155 = arith.constant 0 : i32
      %cond3A_156 = arith.cmpi ne, %convert_element_type3A_154, %cond3A_155 : i32
      scf.if %cond3A_156 {
        %ge3A = arith.constant 2 : i32
        %ge3A_179 = arith.cmpi sge, %add3A_149, %ge3A : i32
        %convert_element_type3A_180 = arith.extui %ge3A_179 : i1 to i32
        %cond3A_181 = arith.constant 0 : i32
        %cond3A_182 = arith.cmpi ne, %convert_element_type3A_180, %cond3A_181 : i32
        scf.if %cond3A_182 {
          %dma_wait3A_197 = arith.constant 0 : i32
          %dma_wait3A_198 = arith.constant 0 : i32
          %dma_wait3A_199 = tpu.memref_slice %arg4[%dma_wait3A_197, %dma_wait3A_198] : memref<16384x1024xf32, #tpu.memory_space<hbm>> -> memref<8x1024xf32, #tpu.memory_space<hbm>>
          %dma_wait3A_200 = arith.constant 0 : i32
          %dma_wait3A_201 = arith.constant 0 : i32
          %dma_wait3A_202 = tpu.memref_slice %arg4[%dma_wait3A_200, %dma_wait3A_201] : memref<16384x1024xf32, #tpu.memory_space<hbm>> -> memref<8x1024xf32, #tpu.memory_space<hbm>>
          tpu.wait_dma2 semaphore(%arg22 : memref<!tpu.dma_semaphore, #tpu.memory_space<semaphore_mem>>) src(%arg6 : memref<8x1024xf32, #tpu.memory_space<vmem>>) dst(%dma_wait3A_202 : memref<8x1024xf32, #tpu.memory_space<hbm>>)
        } else {
        }
        %mul3A_183 = arith.constant 8 : i32
        %mul3A_184 = arith.muli %add3A_151, %mul3A_183 : i32
        %add3A_185 = arith.addi %mul3A_2, %mul3A_184 : i32
        %dma_start3A_186 = arith.constant 0 : i32
        %dma_start3A_187 = tpu.memref_slice %arg2[%add3A_185, %dma_start3A_186] : memref<16384x1024xf32, #tpu.memory_space<hbm>> -> memref<8x1024xf32, #tpu.memory_space<hbm>>
        %dma_start3A_188 = arith.constant 0 : i32
        %dma_start3A_189 = tpu.memref_slice %arg2[%add3A_185, %dma_start3A_188] : memref<16384x1024xf32, #tpu.memory_space<hbm>> -> memref<8x1024xf32, #tpu.memory_space<hbm>>
        tpu.enqueue_dma source(%dma_start3A_189 : memref<8x1024xf32, #tpu.memory_space<hbm>>) target(%arg6 : memref<8x1024xf32, #tpu.memory_space<vmem>>) target_semaphore(%arg14 : memref<!tpu.dma_semaphore, #tpu.memory_space<semaphore_mem>>)
        %mul3A_190 = arith.constant 8 : i32
        %mul3A_191 = arith.muli %add3A_151, %mul3A_190 : i32
        %add3A_192 = arith.addi %rem3A_3, %mul3A_191 : i32
        %dma_start3A_193 = arith.constant 0 : i32
        %dma_start3A_194 = tpu.memref_slice %arg3[%add3A_192, %dma_start3A_193] : memref<4096x1024xf32, #tpu.memory_space<hbm>> -> memref<8x1024xf32, #tpu.memory_space<hbm>>
        %dma_start3A_195 = arith.constant 0 : i32
        %dma_start3A_196 = tpu.memref_slice %arg3[%add3A_192, %dma_start3A_195] : memref<4096x1024xf32, #tpu.memory_space<hbm>> -> memref<8x1024xf32, #tpu.memory_space<hbm>>
        tpu.enqueue_dma source(%dma_start3A_196 : memref<8x1024xf32, #tpu.memory_space<hbm>>) target(%arg10 : memref<8x1024xf32, #tpu.memory_space<vmem>>) target_semaphore(%arg18 : memref<!tpu.dma_semaphore, #tpu.memory_space<semaphore_mem>>)
      } else {
      }
      %dma_wait3A_157 = arith.constant 0 : i32
      %dma_wait3A_158 = arith.constant 0 : i32
      %dma_wait3A_159 = tpu.memref_slice %arg2[%dma_wait3A_157, %dma_wait3A_158] : memref<16384x1024xf32, #tpu.memory_space<hbm>> -> memref<8x1024xf32, #tpu.memory_space<hbm>>
      %dma_wait3A_160 = arith.constant 0 : i32
      %dma_wait3A_161 = arith.constant 0 : i32
      %dma_wait3A_162 = tpu.memref_slice %arg2[%dma_wait3A_160, %dma_wait3A_161] : memref<16384x1024xf32, #tpu.memory_space<hbm>> -> memref<8x1024xf32, #tpu.memory_space<hbm>>
      tpu.wait_dma2 semaphore(%arg16 : memref<!tpu.dma_semaphore, #tpu.memory_space<semaphore_mem>>) src(%dma_wait3A_162 : memref<8x1024xf32, #tpu.memory_space<hbm>>) dst(%arg8 : memref<8x1024xf32, #tpu.memory_space<vmem>>)
      %dma_wait3A_163 = arith.constant 0 : i32
      %dma_wait3A_164 = arith.constant 0 : i32
      %dma_wait3A_165 = tpu.memref_slice %arg3[%dma_wait3A_163, %dma_wait3A_164] : memref<4096x1024xf32, #tpu.memory_space<hbm>> -> memref<8x1024xf32, #tpu.memory_space<hbm>>
      %dma_wait3A_166 = arith.constant 0 : i32
      %dma_wait3A_167 = arith.constant 0 : i32
      %dma_wait3A_168 = tpu.memref_slice %arg3[%dma_wait3A_166, %dma_wait3A_167] : memref<4096x1024xf32, #tpu.memory_space<hbm>> -> memref<8x1024xf32, #tpu.memory_space<hbm>>
      tpu.wait_dma2 semaphore(%arg20 : memref<!tpu.dma_semaphore, #tpu.memory_space<semaphore_mem>>) src(%dma_wait3A_168 : memref<8x1024xf32, #tpu.memory_space<hbm>>) dst(%arg12 : memref<8x1024xf32, #tpu.memory_space<vmem>>)
      %parallel_loop3A_169 = arith.constant 0 : i32
      %parallel_loop3A_170 = arith.constant 1024 : i32
      %parallel_loop3A_171 = arith.constant 16 : i32
      scf.for %parallel_loop3A_179 = %parallel_loop3A_169 to %parallel_loop3A_170 step %parallel_loop3A_171  : i32 {
        %parallel_loop3A_180 = arith.constant 0 : i32
        %parallel_loop3A_181 = arith.constant 0 : i32
        %parallel_loop3A_182 = tpu.memref_slice %arg12[%parallel_loop3A_180, %parallel_loop3A_181] : memref<8x1024xf32, #tpu.memory_space<vmem>> -> memref<1x1024xf32, #tpu.memory_space<vmem>>
        %parallel_loop3A_183 = tpu.memref_squeeze %parallel_loop3A_182 : memref<1x1024xf32, #tpu.memory_space<vmem>> -> memref<1024xf32, #tpu.memory_space<vmem>>
        %parallel_loop3A_184 = arith.index_cast %parallel_loop3A_179 : i32 to index
        %parallel_loop3A_185 = tpu.vector_load %parallel_loop3A_183[%parallel_loop3A_184] {strides = array<i32>} : memref<1024xf32, #tpu.memory_space<vmem>>, vector<16xf32>,
        %parallel_loop3A_186 = vector.shape_cast %parallel_loop3A_185 : vector<16xf32> to vector<16xf32>
        %parallel_loop3A_187 = arith.constant 0 : i32
        %parallel_loop3A_188 = arith.constant 0 : i32
        %parallel_loop3A_189 = tpu.memref_slice %arg8[%parallel_loop3A_187, %parallel_loop3A_188] : memref<8x1024xf32, #tpu.memory_space<vmem>> -> memref<1x1024xf32, #tpu.memory_space<vmem>>
        %parallel_loop3A_190 = tpu.memref_squeeze %parallel_loop3A_189 : memref<1x1024xf32, #tpu.memory_space<vmem>> -> memref<1024xf32, #tpu.memory_space<vmem>>
        %parallel_loop3A_191 = arith.index_cast %parallel_loop3A_179 : i32 to index
        %parallel_loop3A_192 = tpu.vector_load %parallel_loop3A_190[%parallel_loop3A_191] {strides = array<i32>} : memref<1024xf32, #tpu.memory_space<vmem>>, vector<16xf32>,
        %parallel_loop3A_193 = vector.shape_cast %parallel_loop3A_192 : vector<16xf32> to vector<16xf32>
        %parallel_loop3A_194 = vector.shape_cast %parallel_loop3A_186 : vector<16xf32> to vector<16xf32>
        tpu.vector_store %parallel_loop3A_190[%parallel_loop3A_191], %parallel_loop3A_194 {add = true, strides = array<i32>} : memref<1024xf32, #tpu.memory_space<vmem>>, vector<16xf32>,
        %parallel_loop3A_195 = arith.constant 1 : i32
        %parallel_loop3A_196 = arith.constant 0 : i32
        %parallel_loop3A_197 = tpu.memref_slice %arg12[%parallel_loop3A_195, %parallel_loop3A_196] : memref<8x1024xf32, #tpu.memory_space<vmem>> -> memref<1x1024xf32, #tpu.memory_space<vmem>>
        %parallel_loop3A_198 = tpu.memref_squeeze %parallel_loop3A_197 : memref<1x1024xf32, #tpu.memory_space<vmem>> -> memref<1024xf32, #tpu.memory_space<vmem>>
        %parallel_loop3A_199 = arith.index_cast %parallel_loop3A_179 : i32 to index
        %parallel_loop3A_200 = tpu.vector_load %parallel_loop3A_198[%parallel_loop3A_199] {strides = array<i32>} : memref<1024xf32, #tpu.memory_space<vmem>>, vector<16xf32>,
        %parallel_loop3A_201 = vector.shape_cast %parallel_loop3A_200 : vector<16xf32> to vector<16xf32>
        %parallel_loop3A_202 = arith.constant 1 : i32
        %parallel_loop3A_203 = arith.constant 0 : i32
        %parallel_loop3A_204 = tpu.memref_slice %arg8[%parallel_loop3A_202, %parallel_loop3A_203] : memref<8x1024xf32, #tpu.memory_space<vmem>> -> memref<1x1024xf32, #tpu.memory_space<vmem>>
        %parallel_loop3A_205 = tpu.memref_squeeze %parallel_loop3A_204 : memref<1x1024xf32, #tpu.memory_space<vmem>> -> memref<1024xf32, #tpu.memory_space<vmem>>
        %parallel_loop3A_206 = arith.index_cast %parallel_loop3A_179 : i32 to index
        %parallel_loop3A_207 = tpu.vector_load %parallel_loop3A_205[%parallel_loop3A_206] {strides = array<i32>} : memref<1024xf32, #tpu.memory_space<vmem>>, vector<16xf32>,
        %parallel_loop3A_208 = vector.shape_cast %parallel_loop3A_207 : vector<16xf32> to vector<16xf32>
        %parallel_loop3A_209 = vector.shape_cast %parallel_loop3A_201 : vector<16xf32> to vector<16xf32>
        tpu.vector_store %parallel_loop3A_205[%parallel_loop3A_206], %parallel_loop3A_209 {add = true, strides = array<i32>} : memref<1024xf32, #tpu.memory_space<vmem>>, vector<16xf32>,
        %parallel_loop3A_210 = arith.constant 2 : i32
        %parallel_loop3A_211 = arith.constant 0 : i32
        %parallel_loop3A_212 = tpu.memref_slice %arg12[%parallel_loop3A_210, %parallel_loop3A_211] : memref<8x1024xf32, #tpu.memory_space<vmem>> -> memref<1x1024xf32, #tpu.memory_space<vmem>>
        %parallel_loop3A_213 = tpu.memref_squeeze %parallel_loop3A_212 : memref<1x1024xf32, #tpu.memory_space<vmem>> -> memref<1024xf32, #tpu.memory_space<vmem>>
        %parallel_loop3A_214 = arith.index_cast %parallel_loop3A_179 : i32 to index
        %parallel_loop3A_215 = tpu.vector_load %parallel_loop3A_213[%parallel_loop3A_214] {strides = array<i32>} : memref<1024xf32, #tpu.memory_space<vmem>>, vector<16xf32>,
        %parallel_loop3A_216 = vector.shape_cast %parallel_loop3A_215 : vector<16xf32> to vector<16xf32>
        %parallel_loop3A_217 = arith.constant 2 : i32
        %parallel_loop3A_218 = arith.constant 0 : i32
        %parallel_loop3A_219 = tpu.memref_slice %arg8[%parallel_loop3A_217, %parallel_loop3A_218] : memref<8x1024xf32, #tpu.memory_space<vmem>> -> memref<1x1024xf32, #tpu.memory_space<vmem>>
        %parallel_loop3A_220 = tpu.memref_squeeze %parallel_loop3A_219 : memref<1x1024xf32, #tpu.memory_space<vmem>> -> memref<1024xf32, #tpu.memory_space<vmem>>
        %parallel_loop3A_221 = arith.index_cast %parallel_loop3A_179 : i32 to index
        %parallel_loop3A_222 = tpu.vector_load %parallel_loop3A_220[%parallel_loop3A_221] {strides = array<i32>} : memref<1024xf32, #tpu.memory_space<vmem>>, vector<16xf32>,
        %parallel_loop3A_223 = vector.shape_cast %parallel_loop3A_222 : vector<16xf32> to vector<16xf32>
        %parallel_loop3A_224 = vector.shape_cast %parallel_loop3A_216 : vector<16xf32> to vector<16xf32>
        tpu.vector_store %parallel_loop3A_220[%parallel_loop3A_221], %parallel_loop3A_224 {add = true, strides = array<i32>} : memref<1024xf32, #tpu.memory_space<vmem>>, vector<16xf32>,
        %parallel_loop3A_225 = arith.constant 3 : i32
        %parallel_loop3A_226 = arith.constant 0 : i32
        %parallel_loop3A_227 = tpu.memref_slice %arg12[%parallel_loop3A_225, %parallel_loop3A_226] : memref<8x1024xf32, #tpu.memory_space<vmem>> -> memref<1x1024xf32, #tpu.memory_space<vmem>>
        %parallel_loop3A_228 = tpu.memref_squeeze %parallel_loop3A_227 : memref<1x1024xf32, #tpu.memory_space<vmem>> -> memref<1024xf32, #tpu.memory_space<vmem>>
        %parallel_loop3A_229 = arith.index_cast %parallel_loop3A_179 : i32 to index
        %parallel_loop3A_230 = tpu.vector_load %parallel_loop3A_228[%parallel_loop3A_229] {strides = array<i32>} : memref<1024xf32, #tpu.memory_space<vmem>>, vector<16xf32>,
        %parallel_loop3A_231 = vector.shape_cast %parallel_loop3A_230 : vector<16xf32> to vector<16xf32>
        %parallel_loop3A_232 = arith.constant 3 : i32
        %parallel_loop3A_233 = arith.constant 0 : i32
        %parallel_loop3A_234 = tpu.memref_slice %arg8[%parallel_loop3A_232, %parallel_loop3A_233] : memref<8x1024xf32, #tpu.memory_space<vmem>> -> memref<1x1024xf32, #tpu.memory_space<vmem>>
        %parallel_loop3A_235 = tpu.memref_squeeze %parallel_loop3A_234 : memref<1x1024xf32, #tpu.memory_space<vmem>> -> memref<1024xf32, #tpu.memory_space<vmem>>
        %parallel_loop3A_236 = arith.index_cast %parallel_loop3A_179 : i32 to index
        %parallel_loop3A_237 = tpu.vector_load %parallel_loop3A_235[%parallel_loop3A_236] {strides = array<i32>} : memref<1024xf32, #tpu.memory_space<vmem>>, vector<16xf32>,
        %parallel_loop3A_238 = vector.shape_cast %parallel_loop3A_237 : vector<16xf32> to vector<16xf32>
        %parallel_loop3A_239 = vector.shape_cast %parallel_loop3A_231 : vector<16xf32> to vector<16xf32>
        tpu.vector_store %parallel_loop3A_235[%parallel_loop3A_236], %parallel_loop3A_239 {add = true, strides = array<i32>} : memref<1024xf32, #tpu.memory_space<vmem>>, vector<16xf32>,
        %parallel_loop3A_240 = arith.constant 4 : i32
        %parallel_loop3A_241 = arith.constant 0 : i32
        %parallel_loop3A_242 = tpu.memref_slice %arg12[%parallel_loop3A_240, %parallel_loop3A_241] : memref<8x1024xf32, #tpu.memory_space<vmem>> -> memref<1x1024xf32, #tpu.memory_space<vmem>>
        %parallel_loop3A_243 = tpu.memref_squeeze %parallel_loop3A_242 : memref<1x1024xf32, #tpu.memory_space<vmem>> -> memref<1024xf32, #tpu.memory_space<vmem>>
        %parallel_loop3A_244 = arith.index_cast %parallel_loop3A_179 : i32 to index
        %parallel_loop3A_245 = tpu.vector_load %parallel_loop3A_243[%parallel_loop3A_244] {strides = array<i32>} : memref<1024xf32, #tpu.memory_space<vmem>>, vector<16xf32>,
        %parallel_loop3A_246 = vector.shape_cast %parallel_loop3A_245 : vector<16xf32> to vector<16xf32>
        %parallel_loop3A_247 = arith.constant 4 : i32
        %parallel_loop3A_248 = arith.constant 0 : i32
        %parallel_loop3A_249 = tpu.memref_slice %arg8[%parallel_loop3A_247, %parallel_loop3A_248] : memref<8x1024xf32, #tpu.memory_space<vmem>> -> memref<1x1024xf32, #tpu.memory_space<vmem>>
        %parallel_loop3A_250 = tpu.memref_squeeze %parallel_loop3A_249 : memref<1x1024xf32, #tpu.memory_space<vmem>> -> memref<1024xf32, #tpu.memory_space<vmem>>
        %parallel_loop3A_251 = arith.index_cast %parallel_loop3A_179 : i32 to index
        %parallel_loop3A_252 = tpu.vector_load %parallel_loop3A_250[%parallel_loop3A_251] {strides = array<i32>} : memref<1024xf32, #tpu.memory_space<vmem>>, vector<16xf32>,
        %parallel_loop3A_253 = vector.shape_cast %parallel_loop3A_252 : vector<16xf32> to vector<16xf32>
        %parallel_loop3A_254 = vector.shape_cast %parallel_loop3A_246 : vector<16xf32> to vector<16xf32>
        tpu.vector_store %parallel_loop3A_250[%parallel_loop3A_251], %parallel_loop3A_254 {add = true, strides = array<i32>} : memref<1024xf32, #tpu.memory_space<vmem>>, vector<16xf32>,
        %parallel_loop3A_255 = arith.constant 5 : i32
        %parallel_loop3A_256 = arith.constant 0 : i32
        %parallel_loop3A_257 = tpu.memref_slice %arg12[%parallel_loop3A_255, %parallel_loop3A_256] : memref<8x1024xf32, #tpu.memory_space<vmem>> -> memref<1x1024xf32, #tpu.memory_space<vmem>>
        %parallel_loop3A_258 = tpu.memref_squeeze %parallel_loop3A_257 : memref<1x1024xf32, #tpu.memory_space<vmem>> -> memref<1024xf32, #tpu.memory_space<vmem>>
        %parallel_loop3A_259 = arith.index_cast %parallel_loop3A_179 : i32 to index
        %parallel_loop3A_260 = tpu.vector_load %parallel_loop3A_258[%parallel_loop3A_259] {strides = array<i32>} : memref<1024xf32, #tpu.memory_space<vmem>>, vector<16xf32>,
        %parallel_loop3A_261 = vector.shape_cast %parallel_loop3A_260 : vector<16xf32> to vector<16xf32>
        %parallel_loop3A_262 = arith.constant 5 : i32
        %parallel_loop3A_263 = arith.constant 0 : i32
        %parallel_loop3A_264 = tpu.memref_slice %arg8[%parallel_loop3A_262, %parallel_loop3A_263] : memref<8x1024xf32, #tpu.memory_space<vmem>> -> memref<1x1024xf32, #tpu.memory_space<vmem>>
        %parallel_loop3A_265 = tpu.memref_squeeze %parallel_loop3A_264 : memref<1x1024xf32, #tpu.memory_space<vmem>> -> memref<1024xf32, #tpu.memory_space<vmem>>
        %parallel_loop3A_266 = arith.index_cast %parallel_loop3A_179 : i32 to index
        %parallel_loop3A_267 = tpu.vector_load %parallel_loop3A_265[%parallel_loop3A_266] {strides = array<i32>} : memref<1024xf32, #tpu.memory_space<vmem>>, vector<16xf32>,
        %parallel_loop3A_268 = vector.shape_cast %parallel_loop3A_267 : vector<16xf32> to vector<16xf32>
        %parallel_loop3A_269 = vector.shape_cast %parallel_loop3A_261 : vector<16xf32> to vector<16xf32>
        tpu.vector_store %parallel_loop3A_265[%parallel_loop3A_266], %parallel_loop3A_269 {add = true, strides = array<i32>} : memref<1024xf32, #tpu.memory_space<vmem>>, vector<16xf32>,
        %parallel_loop3A_270 = arith.constant 6 : i32
        %parallel_loop3A_271 = arith.constant 0 : i32
        %parallel_loop3A_272 = tpu.memref_slice %arg12[%parallel_loop3A_270, %parallel_loop3A_271] : memref<8x1024xf32, #tpu.memory_space<vmem>> -> memref<1x1024xf32, #tpu.memory_space<vmem>>
        %parallel_loop3A_273 = tpu.memref_squeeze %parallel_loop3A_272 : memref<1x1024xf32, #tpu.memory_space<vmem>> -> memref<1024xf32, #tpu.memory_space<vmem>>
        %parallel_loop3A_274 = arith.index_cast %parallel_loop3A_179 : i32 to index
        %parallel_loop3A_275 = tpu.vector_load %parallel_loop3A_273[%parallel_loop3A_274] {strides = array<i32>} : memref<1024xf32, #tpu.memory_space<vmem>>, vector<16xf32>,
        %parallel_loop3A_276 = vector.shape_cast %parallel_loop3A_275 : vector<16xf32> to vector<16xf32>
        %parallel_loop3A_277 = arith.constant 6 : i32
        %parallel_loop3A_278 = arith.constant 0 : i32
        %parallel_loop3A_279 = tpu.memref_slice %arg8[%parallel_loop3A_277, %parallel_loop3A_278] : memref<8x1024xf32, #tpu.memory_space<vmem>> -> memref<1x1024xf32, #tpu.memory_space<vmem>>
        %parallel_loop3A_280 = tpu.memref_squeeze %parallel_loop3A_279 : memref<1x1024xf32, #tpu.memory_space<vmem>> -> memref<1024xf32, #tpu.memory_space<vmem>>
        %parallel_loop3A_281 = arith.index_cast %parallel_loop3A_179 : i32 to index
        %parallel_loop3A_282 = tpu.vector_load %parallel_loop3A_280[%parallel_loop3A_281] {strides = array<i32>} : memref<1024xf32, #tpu.memory_space<vmem>>, vector<16xf32>,
        %parallel_loop3A_283 = vector.shape_cast %parallel_loop3A_282 : vector<16xf32> to vector<16xf32>
        %parallel_loop3A_284 = vector.shape_cast %parallel_loop3A_276 : vector<16xf32> to vector<16xf32>
        tpu.vector_store %parallel_loop3A_280[%parallel_loop3A_281], %parallel_loop3A_284 {add = true, strides = array<i32>} : memref<1024xf32, #tpu.memory_space<vmem>>, vector<16xf32>,
        %parallel_loop3A_285 = arith.constant 7 : i32
        %parallel_loop3A_286 = arith.constant 0 : i32
        %parallel_loop3A_287 = tpu.memref_slice %arg12[%parallel_loop3A_285, %parallel_loop3A_286] : memref<8x1024xf32, #tpu.memory_space<vmem>> -> memref<1x1024xf32, #tpu.memory_space<vmem>>
        %parallel_loop3A_288 = tpu.memref_squeeze %parallel_loop3A_287 : memref<1x1024xf32, #tpu.memory_space<vmem>> -> memref<1024xf32, #tpu.memory_space<vmem>>
        %parallel_loop3A_289 = arith.index_cast %parallel_loop3A_179 : i32 to index
        %parallel_loop3A_290 = tpu.vector_load %parallel_loop3A_288[%parallel_loop3A_289] {strides = array<i32>} : memref<1024xf32, #tpu.memory_space<vmem>>, vector<16xf32>,
        %parallel_loop3A_291 = vector.shape_cast %parallel_loop3A_290 : vector<16xf32> to vector<16xf32>
        %parallel_loop3A_292 = arith.constant 7 : i32
        %parallel_loop3A_293 = arith.constant 0 : i32
        %parallel_loop3A_294 = tpu.memref_slice %arg8[%parallel_loop3A_292, %parallel_loop3A_293] : memref<8x1024xf32, #tpu.memory_space<vmem>> -> memref<1x1024xf32, #tpu.memory_space<vmem>>
        %parallel_loop3A_295 = tpu.memref_squeeze %parallel_loop3A_294 : memref<1x1024xf32, #tpu.memory_space<vmem>> -> memref<1024xf32, #tpu.memory_space<vmem>>
        %parallel_loop3A_296 = arith.index_cast %parallel_loop3A_179 : i32 to index
        %parallel_loop3A_297 = tpu.vector_load %parallel_loop3A_295[%parallel_loop3A_296] {strides = array<i32>} : memref<1024xf32, #tpu.memory_space<vmem>>, vector<16xf32>,
        %parallel_loop3A_298 = vector.shape_cast %parallel_loop3A_297 : vector<16xf32> to vector<16xf32>
        %parallel_loop3A_299 = vector.shape_cast %parallel_loop3A_291 : vector<16xf32> to vector<16xf32>
        tpu.vector_store %parallel_loop3A_295[%parallel_loop3A_296], %parallel_loop3A_299 {add = true, strides = array<i32>} : memref<1024xf32, #tpu.memory_space<vmem>>, vector<16xf32>,
      } {sc.loop_unroll_factor = 2 : i64, sc.parallel_access}
      %mul3A_172 = arith.constant 8 : i32
      %mul3A_173 = arith.muli %add3A_149, %mul3A_172 : i32
      %add3A_174 = arith.addi %mul3A_2, %mul3A_173 : i32
      %dma_start3A_175 = arith.constant 0 : i32
      %dma_start3A_176 = tpu.memref_slice %arg4[%add3A_174, %dma_start3A_175] : memref<16384x1024xf32, #tpu.memory_space<hbm>> -> memref<8x1024xf32, #tpu.memory_space<hbm>>
      %dma_start3A_177 = arith.constant 0 : i32
      %dma_start3A_178 = tpu.memref_slice %arg4[%add3A_174, %dma_start3A_177] : memref<16384x1024xf32, #tpu.memory_space<hbm>> -> memref<8x1024xf32, #tpu.memory_space<hbm>>
      tpu.enqueue_dma source(%arg8 : memref<8x1024xf32, #tpu.memory_space<vmem>>) target(%dma_start3A_178 : memref<8x1024xf32, #tpu.memory_space<hbm>>) target_semaphore(%arg24 : memref<!tpu.dma_semaphore, #tpu.memory_space<semaphore_mem>>)
    }
    %scan3A_30 = arith.constant 16 : i32
    %dma_wait3A = arith.constant 0 : i32
    %dma_wait3A_31 = arith.constant 0 : i32
    %dma_wait3A_32 = tpu.memref_slice %arg4[%dma_wait3A, %dma_wait3A_31] : memref<16384x1024xf32, #tpu.memory_space<hbm>> -> memref<8x1024xf32, #tpu.memory_space<hbm>>
    %dma_wait3A_33 = arith.constant 0 : i32
    %dma_wait3A_34 = arith.constant 0 : i32
    %dma_wait3A_35 = tpu.memref_slice %arg4[%dma_wait3A_33, %dma_wait3A_34] : memref<16384x1024xf32, #tpu.memory_space<hbm>> -> memref<8x1024xf32, #tpu.memory_space<hbm>>
    tpu.wait_dma2 semaphore(%arg21 : memref<!tpu.dma_semaphore, #tpu.memory_space<semaphore_mem>>) src(%arg5 : memref<8x1024xf32, #tpu.memory_space<vmem>>) dst(%dma_wait3A_35 : memref<8x1024xf32, #tpu.memory_space<hbm>>)
    %dma_wait3A_36 = arith.constant 0 : i32
    %dma_wait3A_37 = arith.constant 0 : i32
    %dma_wait3A_38 = tpu.memref_slice %arg4[%dma_wait3A_36, %dma_wait3A_37] : memref<16384x1024xf32, #tpu.memory_space<hbm>> -> memref<8x1024xf32, #tpu.memory_space<hbm>>
    %dma_wait3A_39 = arith.constant 0 : i32
    %dma_wait3A_40 = arith.constant 0 : i32
    %dma_wait3A_41 = tpu.memref_slice %arg4[%dma_wait3A_39, %dma_wait3A_40] : memref<16384x1024xf32, #tpu.memory_space<hbm>> -> memref<8x1024xf32, #tpu.memory_space<hbm>>
    tpu.wait_dma2 semaphore(%arg22 : memref<!tpu.dma_semaphore, #tpu.memory_space<semaphore_mem>>) src(%arg6 : memref<8x1024xf32, #tpu.memory_space<vmem>>) dst(%dma_wait3A_41 : memref<8x1024xf32, #tpu.memory_space<hbm>>)
    %dma_wait3A_42 = arith.constant 0 : i32
    %dma_wait3A_43 = arith.constant 0 : i32
    %dma_wait3A_44 = tpu.memref_slice %arg4[%dma_wait3A_42, %dma_wait3A_43] : memref<16384x1024xf32, #tpu.memory_space<hbm>> -> memref<8x1024xf32, #tpu.memory_space<hbm>>
    %dma_wait3A_45 = arith.constant 0 : i32
    %dma_wait3A_46 = arith.constant 0 : i32
    %dma_wait3A_47 = tpu.memref_slice %arg4[%dma_wait3A_45, %dma_wait3A_46] : memref<16384x1024xf32, #tpu.memory_space<hbm>> -> memref<8x1024xf32, #tpu.memory_space<hbm>>
    tpu.wait_dma2 semaphore(%arg23 : memref<!tpu.dma_semaphore, #tpu.memory_space<semaphore_mem>>) src(%arg7 : memref<8x1024xf32, #tpu.memory_space<vmem>>) dst(%dma_wait3A_47 : memref<8x1024xf32, #tpu.memory_space<hbm>>)
    %dma_wait3A_48 = arith.constant 0 : i32
    %dma_wait3A_49 = arith.constant 0 : i32
    %dma_wait3A_50 = tpu.memref_slice %arg4[%dma_wait3A_48, %dma_wait3A_49] : memref<16384x1024xf32, #tpu.memory_space<hbm>> -> memref<8x1024xf32, #tpu.memory_space<hbm>>
    %dma_wait3A_51 = arith.constant 0 : i32
    %dma_wait3A_52 = arith.constant 0 : i32
    %dma_wait3A_53 = tpu.memref_slice %arg4[%dma_wait3A_51, %dma_wait3A_52] : memref<16384x1024xf32, #tpu.memory_space<hbm>> -> memref<8x1024xf32, #tpu.memory_space<hbm>>
    tpu.wait_dma2 semaphore(%arg24 : memref<!tpu.dma_semaphore, #tpu.memory_space<semaphore_mem>>) src(%arg8 : memref<8x1024xf32, #tpu.memory_space<vmem>>) dst(%dma_wait3A_53 : memref<8x1024xf32, #tpu.memory_space<hbm>>)
    return
  }
}

</mosaic_0001>

<sc_bundles>
// kernel: kernel.3.cloned.1.call-start
scs
__scs_entry_jumppad:
0x0: {  	(pc) =	sbr.rel $0x88, $3  }
0x1: {  	(tag) =	ssettag $0x0;
	lr =	simm.s32 $0x1  }
0x2: {  	[smem:$0x3F9F] =	sst lr;
	_ =	strace $0xD0000000  }
0x3: {  	_ = 	snop  }
0x4: {  	_ = 	snop  }
0x5: {  	_ = 	snop  }
0x6: {  	_ = 	snop  }
0x7: {  	_ = 	snop  }
__scs_overlays_trampoline_lowered:
0x8: {  	[smem:$0x3FAE] =	sst s0  }
0x9: {  	[smem:$0x3FAF] =	sst s1  }
0xa: {  	[smem:$0x3FB0] =	sst s2  }
0xb: {  	[smem:$0x3FB1] =	sst s3  }
0xc: {  	[smem:$0x3FB2] =	sst s4  }
0xd: {  	[smem:$0x3FB3] =	sst s5  }
0xe: {  	[smem:$0x3FB4] =	sst s6  }
0xf: {  	[smem:$0x3FB5] =	sst s7  }
0x10: {  	[smem:$0x3FB6] =	sst s8  }
0x11: {  	[smem:$0x3FB7] =	sst s9;
	s0 =	simm.s32 @!p0 $0x0  }
0x12: {  	s1 =	sld [smem:$0x3F9D];
	s0 =	simm.s32 @p0 $0x1  }
0x13: {  	[smem:$0x3FB8] =	sst s0;
	s0 =	simm.s32 @!p1 $0x0  }
0x14: {  	s2 =	sld [smem:$0x3F9C];
	s0 =	simm.s32 @p1 $0x1  }
0x15: {  	[smem:$0x3FB9] =	sst s0;
	s0 =	simm.s32 @!p2 $0x0  }
0x16: {  	s3 =	sld [smem:$0x3FDB];
	s0 =	simm.s32 @p2 $0x1  }
0x17: {  	s4 =	simm.s32 $0x1BF5;
	[smem:$0x3FBB] =	sst s0  }
0x18: {  	s0 =	sld [smem:$0x3F9E];
	_ =	swait.ge [sflag:s4], $0x0  }
0x19: {  	s7 =	sld [smem:$0x3F9F]  }
0x1a: {  	s8 =	sadd.s32 $0xFFFFE003, lr  }
0x1b: {  	s9 =	sadd.s32 $0xFFFFFEF7, lr;
	s5 =	simm.s32 $0xFFFFFFFF;
	p2 =	slt.u32 s8, $0xFFFFF086  }
0x1c: {  	p1 =	slt.u32 s9, $0xF7A;
	s5 =	simm.s32 @!p2 $0x0  }
0x1d: {  	s5 =	simm.s32 @p1 $0x1;
	p0 =	seq.s32 s7, s2  }
0x1e: {  	s7 =	smul.u32 @!p0 $0xF7A, s2;
	p2 =	seq.s32 @!p0 s5, $0x0  }
0x1f: {  	s9 =	smul.u32 $0xF7A, s1;
	s8 =	simm.s32 @!p0 $0x1BF5;
	p2 =	por !p2, p0  }
0x20: {  	[sflag:s8] =	ssyncset.s32 @!p0 $0xFFFFF086;
	s6 =	sadd.s32 @!p0 s3, s7;
	s7 =	simm.s32 @!p0 $0x108  }
0x21: {  	s3 =	sadd.s32 s3, s9;
	s6 =	sadd.s32 @!p0 $0x88, s6;
	s7 =	simm.s32 @p2 $0x1082  }
0x22: {  	[simem:s7], [sflag:s8] =	dma.local @!p0 [hbm:s6], $0xF7A  }
0x23: {  	s9 =	sor.u32 $0xD0000000, s2;
	s6 =	simm.s32 $0x108;
	_ =	swait.ge @!p0 [sflag:s8], $0x0  }
0x24: {  	s3 =	sadd.s32 $0x88, s3;
	s6 =	simm.s32 @!p1 $0x1082;
	[sflag:s4] =	ssyncset.s32 $0xFFFFF086  }
0x25: {  	[simem:s6], [sflag:s4] =	dma.local [hbm:s3], $0xF7A  }
0x26: {  	[smem:$0x3F9F] =	sst s1;
	(tag) =	ssettag s2;
	_ =	strace s9  }
0x27: {  	s1 =	sld [smem:$0x3FAF]  }
0x28: {  	s2 =	sld [smem:$0x3FB0]  }
0x29: {  	s4 =	sld [smem:$0x3FB2]  }
0x2a: {  	p0 =	seq.s32 s5, $0x0;
	s5 =	sld [smem:$0x3FB3]  }
0x2b: {  	s6 =	sld [smem:$0x3FB4]  }
0x2c: {  	s7 =	sld [smem:$0x3FB5]  }
0x2d: {  	s3 =	simm.s32 $0x108;
	s8 =	sld [smem:$0x3FB6]  }
0x2e: {  	s3 =	simm.s32 @!p0 $0x1082;
	s9 =	sld [smem:$0x3FB7]  }
0x2f: {  	lr =	sadd.s32 s0, s3;
	s0 =	sld [smem:$0x3FAE]  }
0x30: {  	s3 =	sld [smem:$0x3FB1]  }
0x31: {  	[smem:$0x3FBA] =	sst s10  }
0x32: {  	s10 =	sld [smem:$0x3FB8];
	_ =	sdelay $0x3  }
0x33: {  	p0 =	seq.s32 s10, $0x1;
	s10 =	sld [smem:$0x3FBA];
	_ =	sdelay $0x3  }
0x34: {  	[smem:$0x3FBA] =	sst s10  }
0x35: {  	s10 =	sld [smem:$0x3FB9];
	_ =	sdelay $0x3  }
0x36: {  	p1 =	seq.s32 s10, $0x1;
	s10 =	sld [smem:$0x3FBA];
	_ =	sdelay $0x3  }
0x37: {  	[smem:$0x3FBA] =	sst s10  }
0x38: {  	s10 =	sld [smem:$0x3FBB]  }
0x39: {  	_ = 	snop;
	(pc) =	sbr.ind lr, $3  }
0x3a: {  	_ = 	snop  }
0x3b: {  	_ = 	snop  }
0x3c: {  	p2 =	seq.s32 s10, $0x1;
	s10 =	sld [smem:$0x3FBA]  }
0x3d: {  	_ =	shalt  }
0x3e: {  	_ =	shalt  }
0x3f: {  	_ =	shalt  }
0x40: {  	_ =	shalt  }
0x41: {  	_ =	shalt  }
0x42: {  	_ =	shalt  }
0x43: {  	_ =	shalt  }
0x44: {  	_ =	shalt  }
0x45: {  	_ =	shalt  }
0x46: {  	_ =	shalt  }
0x47: {  	_ =	shalt  }
0x48: {  	_ =	shalt  }
0x49: {  	_ =	shalt  }
0x4a: {  	_ =	shalt  }
0x4b: {  	_ =	shalt  }
0x4c: {  	_ =	shalt  }
0x4d: {  	_ =	shalt  }
0x4e: {  	_ =	shalt  }
0x4f: {  	_ =	shalt  }
0x50: {  	_ =	shalt  }
0x51: {  	_ =	shalt  }
0x52: {  	_ =	shalt  }
0x53: {  	_ =	shalt  }
0x54: {  	_ =	shalt  }
0x55: {  	_ =	shalt  }
0x56: {  	_ =	shalt  }
0x57: {  	_ =	shalt  }
0x58: {  	_ =	shalt  }
0x59: {  	_ =	shalt  }
0x5a: {  	_ =	shalt  }
0x5b: {  	_ =	shalt  }
0x5c: {  	_ =	shalt  }
0x5d: {  	_ =	shalt  }
0x5e: {  	_ =	shalt  }
0x5f: {  	_ =	shalt  }
0x60: {  	_ =	shalt  }
0x61: {  	_ =	shalt  }
0x62: {  	_ =	shalt  }
0x63: {  	_ =	shalt  }
0x64: {  	_ =	shalt  }
0x65: {  	_ =	shalt  }
0x66: {  	_ =	shalt  }
0x67: {  	_ =	shalt  }
0x68: {  	_ =	shalt  }
0x69: {  	_ =	shalt  }
0x6a: {  	_ =	shalt  }
0x6b: {  	_ =	shalt  }
0x6c: {  	_ =	shalt  }
0x6d: {  	_ =	shalt  }
0x6e: {  	_ =	shalt  }
0x6f: {  	_ =	shalt  }
0x70: {  	_ =	shalt  }
0x71: {  	_ =	shalt  }
0x72: {  	_ =	shalt  }
0x73: {  	_ =	shalt  }
0x74: {  	_ =	shalt  }
0x75: {  	_ =	shalt  }
0x76: {  	_ =	shalt  }
0x77: {  	_ =	shalt  }
0x78: {  	_ =	shalt  }
0x79: {  	_ =	shalt  }
0x7a: {  	_ =	shalt  }
0x7b: {  	_ =	shalt  }
0x7c: {  	_ =	shalt  }
0x7d: {  	_ =	shalt  }
0x7e: {  	_ =	shalt  }
0x7f: {  	_ =	shalt  }
0x80: {  	_ =	shalt  }
0x81: {  	_ =	shalt  }
0x82: {  	_ =	shalt  }
0x83: {  	_ =	shalt  }
0x84: {  	_ =	shalt  }
0x85: {  	_ =	shalt  }
0x86: {  	_ =	shalt  }
0x87: {  	_ =	shalt  }
.Lfunc_end0:
.L_simem_size_0:
called_computation_lowered:
.L_overlay_start_0:
0x88: {  	s2 =	sld [smem:$0x3FD9]  }
0x89: {  	s3 =	sld [smem:$0x3FFE];
	_ =	sdelay $0x1  }
0x8a: {  	s1 =	srdreg.scid  }
0x8b: {  	s0 =	sand.u32 $0x1, s1  }
0x8c: {  	s18 =	sshll.u32 s0, $0xA;
	s2 =	sadd.s32 s3, s2  }
0x8d: {  	s2 =	sadd.s32 s2, s18  }
0x8e: {  	[smem:$0x3FC6] =	sst s2  }
0x8f: {  	_ = 	snop  }
0x90: {  	s2 =	sld [smem:$0x3FC9]  }
0x91: {  	s19 =	sld [smem:$0x3FC8]  }
0x92: {  	s4 =	sld [smem:$0x3FD0];
	(tm) =	ssettm $0x1  }
0x93: {  	s5 =	sld [smem:$0x3FFB];
	_ =	sdelay $0x3  }
0x94: {  	_ =	strace s5  }
0x95: {  	s5 =	sld [smem:$0x3FFC];
	_ =	sdelay $0x3  }
0x96: {  	_ =	strace s5  }
0x97: {  	s5 =	sld [smem:$0x3FFD];
	_ =	sdelay $0x3  }
0x98: {  	_ =	strace s5  }
0x99: {  	_ =	strace $0x8FFFFFFF  }
0x9a: {  	s20 =	sld [smem:$0x3FDB];
	_ =	sdelay $0x1  }
0x9b: {  	s6 =	simm.s32 $_scs_section_size  }
0x9c: {  	s7 =	simm.s32 $_size__tile_overlayer_lowered;
	s8 =	simm.s32 $_tile_overlayer_lowered  }
0x9d: {  	s23 =	simm.s32 $0x1BFF;
	s22 =	sshll.u32 s8, $0x1;
	s5 =	sadd.s32 s6, s20  }
0x9e: {  	s9 =	simm.s32 $0x0;
	s21 =	sshll.u32 s7, $0x1;
	s7 =	sadd.s32 s22, s5  }
0x9f: {  	[timem:s9], [sflag:s23] =	dma.local [hbm:s7], s21  }
0xa0: {  	_ =	swait.ge [sflag:s23], s21  }
0xa1: {  	s6 =	ssub.s32 $0x0, s21;
	[sflag:s23] =	ssyncset.done $0x0  }
0xa2: {  	[sflag:s23] =	ssyncadd.s32 s6;
	_ =	sdelay $0x1  }
0xa3: {  	s24 =	simm.s32 $0x1B8B  }
0xa4: {  	_ =	swait.ge [sflag:s24], $0x1  }
0xa5: {  	[sflag:s24] =	ssyncset.done $0x0  }
0xa6: {  	s25 =	simm.s32 $0x1B8E;
	[sflag:s24] =	ssyncadd.s32 $0xFFFFFFFF  }
0xa7: {  	s26 =	simm.s32 $execute0_lowered;
	[smem:$0x3FD2] =	sst s25  }
0xa8: {  	s6 =	sshll.u32 s26, $0x1;
	_ =	strace $0x80000046;
	[dreg:$0x1] =	wrdreg $0xFFFFFFFF  }
0xa9: {  	s28 =	simm.s32 $_size_execute0_lowered;
	s5 =	sadd.s32 s5, s6;
	[dreg:$0x0] =	wrdreg $0x0  }
0xaa: {  	s6 =	sshll.u32 s28, $0x1;
	[dreg:$0x2] =	wrdreg s5  }
0xab: {  	[dreg:$0x3] =	wrdreg s6  }
0xac: {  	[dreg:$0x4] =	wrdreg $0xC0  }
0xad: {  	_ =	task [dreg:s9], $0x5FFFF  }
0xae: {  	[dreg:$0x1] =	wrdreg $0xFFFFFFFF  }
0xaf: {  	[dreg:$0x0] =	wrdreg $0x60  }
0xb0: {  	[dreg:$0x2] =	wrdreg s2  }
0xb1: {  	[dreg:$0x3] =	wrdreg s19  }
0xb2: {  	[dreg:$0x4] =	wrdreg s4  }
0xb3: {  	[dreg:$0x5] =	wrdreg $0x9  }
0xb4: {  	_ =	task.clear_ibuf [dreg:s9], $0x6FFFF;
	_ =	strace $0x90000046  }
0xb5: {  	s29 =	simm.s32 $0x9;
	_ =	strace $0x80000048  }
0xb6: {  	_ =	swait.ge [sflag:s29], $0x1  }
0xb7: {  	[sflag:s29] =	ssyncadd.s32 $0xFFFFFFFF  }
0xb8: {  	_ =	strace $0x90000048  }
0xb9: {  	_ =	sfence  }
0xba: {  	s30 =	sld [smem:$0x0];
	_ =	sdelay $0x2  }
0xbb: {  	s31 =	sshll.u32 s1, $0xD;
	s1 =	sshrl.u32 s1, $0x2  }
0xbc: {  	s3 =	sand.u32 $0x4000, s31;
	s1 =	sadd.s32 s1, s30  }
0xbd: {  	s0 =	sor.u32 s3, s0;
	s1 =	sshll.u32 s1, $0x11  }
0xbe: {  	s0 =	sor.u32 s1, s0  }
0xbf: {  	s0 =	sadd.s32 $0x8F2B, s0  }
0xc0: {  	[sflag:s0] =	ssyncadd.remote.s32 $0x1  }
0xc1: {  	_ =	sfence.sel $0xFFFF  }
0xc2: {  	[dreg:$0x0] =	wrdreg $0xFFFFFFFF;
	(pc) =	sbr.abs _section_cstart, $3  }
0xc3: {  	[dreg:$0x1] =	wrdreg $0xFFFFFFFF  }
0xc4: {  	_ =	task.clear_ibuf [dreg:s9], $0x2FFFF;
	_ =	strace $0x9FFFFFFF  }
0xc5: {  	(tm) =	ssettm $0x7FFFFFFF  }
tec
execute0_lowered:
.L_overlay_start_1:
0x0: {  	(tag) =	ssettag $0x1  }
0x1: {  	s1 =	rddreg [dreg:$0x0]  }
0x2: {  	s2 =	rddreg [dreg:$0x1]  }
0x3: {  	s25 =	rddreg [dreg:$0x2];
	s0 =	srdreg.scid  }
0x4: {  	s5 =	simm.s32 $0x0;
	s3 =	stileid.u32;
	s0 =	sand.u32 $0x1, s0  }
0x5: {  	s24 =	simm.s32 $0x6000;
	s3 =	sshll.u32 s3, $0xA;
	s6 =	sshll.u32 s0, $0x9  }
0x6: {  	s28 =	simm.s32 $0x7;
	s29 =	simm.s32 $0x4;
	s6 =	sor.u32 s6, s3  }
0x7: {  	[smem:$0x7FF] =	sst s5;
	s0 =	ssub.s32 $0x2, s0;
	s3 =	sshll.u32 s6, $0x7  }
0x8: {  	_ =	strace $0x80000047;
	s8 =	sshrl.u32 s0, $0x1;
	s4 =	sadd.s32 s1, s3  }
0x9: {  	s0 =	ssub.s32 s0, s8;
	s3 =	sadd.s32 s25, s3;
	[dreg:$0x4] =	wrdreg s4  }
0xa: {  	s7 =	sand.u32 $0xE00, s6;
	s0 =	smax.u32 s0, $0x1;
	[dreg:$0x8] =	wrdreg s3  }
0xb: {  	s9 =	sshll.u32 s7, $0x7;
	s4 =	sadd.s32 $0x400, s4;
	[dreg:$0x9] =	wrdreg s0  }
0xc: {  	s30 =	simm.s32 $0x8;
	s26 =	sadd.s32 s2, s9;
	[dreg:$0x6] =	wrdreg s4  }
0xd: {  	s13 =	sshrl.u32 s6, $0x3;
	[dreg:$0x5] =	wrdreg s26;
	s31 =	sadd.s32 $0x400, s26  }
0xe: {  	s26 =	simm.s32 $0x4000;
	s4 =	simm.s32 $0x0;
	[dreg:$0x7] =	wrdreg s31  }
.LBB2_1:
0xf: {  	[dreg:$0xa] =	wrdreg s4  }
0x10: {  	s0 =	rddreg [dreg:$0x4]  }
0x11: {  	[tilespmem:s5], [sflag:$0x1] =	stream.linear.gather [hbm4b:s0+s5], $0x2000, $0x38;
	[tilespmem:$0x10000] =	vst v63  }
0x12: {  	s20 =	rddreg [dreg:$0x5];
	s3 =	simm.s32 $0x8000  }
0x13: {  	[tilespmem:s3], [sflag:$0x5] =	stream.linear.gather [hbm4b:s20+s5], $0x2000, $0x38;
	[tilespmem:$0x10000] =	vst v63  }
0x14: {  	s21 =	rddreg [dreg:$0x6];
	s22 =	simm.s32 $0x2000  }
0x15: {  	[tilespmem:s22], [sflag:$0x2] =	stream.linear.gather [hbm4b:s21+s5], $0x2000, $0x38;
	[tilespmem:$0x10000] =	vst v63  }
0x16: {  	s23 =	rddreg [dreg:$0x7];
	s31 =	simm.s32 $0xA000;
	s10 =	simm.s32 $0x0  }
0x17: {  	[tilespmem:s31], [sflag:$0x6] =	stream.linear.gather [hbm4b:s23+s5], $0x2000, $0x38;
	[tilespmem:$0x10000] =	vst v63  }
.LBB2_2:
0x18: {  	s8 =	sshll.u32 s10, $0x2  }
0x19: {  	p0 =	seq.s32 s10, $0x0;
	s14 =	sor.u32 $0x2, s8  }
0x1a: {  	s0 =	simm.s32 @!p0 $0xB;
	s3 =	sshll.u32 s14, $0x3  }
0x1b: {  	s21 =	simm.s32 $0x0;
	_ =	swait.ge @!p0 [sflag:s0], $0x2000;
	s9 =	sadd.s32 s6, s3  }
0x1c: {  	[sflag:s0] =	ssyncset.done @!p0 $0x0;
	s22 =	sadd.s32 s7, s3;
	s9 =	sshll.u32 s9, $0x7  }
0x1d: {  	[sflag:s0] =	ssyncadd.s32 @!p0 $0xFFFFE000;
	s0 =	sshll.u32 s22, $0x7;
	s20 =	sadd.s32 s1, s9  }
0x1e: {  	[tilespmem:s26], [sflag:$0x3] =	stream.linear.gather [hbm4b:s20+s21], $0x2000, $0x38;
	[tilespmem:$0x10000] =	vst v63  }
0x1f: {  	s23 =	simm.s32 $0xC000;
	s0 =	sadd.s32 s2, s0;
	s26 =	simm.s32 $0x1  }
0x20: {  	[tilespmem:s23], [sflag:$0x7] =	stream.linear.gather [hbm4b:s0+s21], $0x2000, $0x38;
	[tilespmem:$0x10000] =	vst v63  }
0x21: {  	_ =	swait.ge [sflag:s26], $0x2000  }
0x22: {  	[sflag:s26] =	ssyncset.done $0x0  }
0x23: {  	s4 =	simm.s32 $0x5;
	[sflag:s26] =	ssyncadd.s32 $0xFFFFE000  }
0x24: {  	s3 =	simm.s32 $0x0;
	_ =	swait.ge [sflag:s4], $0x2000  }
0x25: {  	s11 =	sand.u32 $0x1C00, s21;
	s0 =	sand.u32 $0x60, s3;
	[sflag:s4] =	ssyncset.done $0x0  }
0x26: {  	s16 =	sor.u32 s0, s11;
	[sflag:s4] =	ssyncadd.s32 $0xFFFFE000  }
0x27: {  	v0 =	vld [tilespmem:s16+$0x8010];
	_ =	sdelay $0x3  }
0x28: {  	s0 =	sor.u32 $0x10, s16  }
0x29: {  	[tilespmem:s0+$0x0] =	vst.add.f32.msk $0xffff, v0  }
0x2a: {  	v0 =	vld [tilespmem:s16+$0x8090];
	_ =	sdelay $0x2  }
0x2b: {  	v1 =	vld [tilespmem:s16+$0x8000]  }
0x2c: {  	s12 =	sor.u32 $0x90, s16;
	v2 =	vld [tilespmem:s16+$0x8080]  }
0x2d: {  	[tilespmem:s12+$0x0] =	vst.add.f32.msk $0xffff, v0  }
0x2e: {  	v0 =	vld [tilespmem:s16+$0x8110];
	_ =	sdelay $0x1  }
0x2f: {  	s15 =	sor.u32 $0x80, s16;
	[tilespmem:s16+$0x0] =	vst.add.f32.msk $0xffff, v1  }
0x30: {  	[tilespmem:s15+$0x0] =	vst.add.f32.msk $0xffff, v2  }
0x31: {  	s17 =	sor.u32 $0x110, s16;
	v1 =	vld [tilespmem:s16+$0x8100]  }
0x32: {  	[tilespmem:s17+$0x0] =	vst.add.f32.msk $0xffff, v0  }
0x33: {  	v0 =	vld [tilespmem:s16+$0x8190];
	_ =	sdelay $0x1  }
0x34: {  	s18 =	sor.u32 $0x100, s16  }
0x35: {  	[tilespmem:s18+$0x0] =	vst.add.f32.msk $0xffff, v1  }
0x36: {  	s19 =	sor.u32 $0x190, s16;
	v1 =	vld [tilespmem:s16+$0x8180]  }
0x37: {  	s11 =	simm.s32 $0x20;
	s0 =	simm.s32 $0x100;
	[tilespmem:s19+$0x0] =	vst.add.f32.msk $0xffff, v0  }
0x38: {  	s22 =	sand.u32 $0x60, s11;
	s23 =	sand.u32 $0x1C00, s0;
	v0 =	vld [tilespmem:s16+$0x8210]  }
0x39: {  	s9 =	sor.u32 s22, s23  }
0x3a: {  	s20 =	sor.u32 $0x180, s16;
	v2 =	vld [tilespmem:s9+$0x8010]  }
0x3b: {  	[tilespmem:s20+$0x0] =	vst.add.f32.msk $0xffff, v1  }
0x3c: {  	s21 =	sor.u32 $0x210, s16;
	v1 =	vld [tilespmem:s16+$0x8200]  }
0x3d: {  	[tilespmem:s21+$0x0] =	vst.add.f32.msk $0xffff, v0  }
0x3e: {  	s12 =	sor.u32 $0x10, s9;
	v0 =	vld [tilespmem:s16+$0x8290]  }
0x3f: {  	[tilespmem:s12+$0x0] =	vst.add.f32.msk $0xffff, v2  }
0x40: {  	s26 =	sor.u32 $0x200, s16;
	v2 =	vld [tilespmem:s9+$0x8090]  }
0x41: {  	[tilespmem:s26+$0x0] =	vst.add.f32.msk $0xffff, v1  }
0x42: {  	s4 =	sor.u32 $0x290, s16;
	v1 =	vld [tilespmem:s9+$0x8000]  }
0x43: {  	[tilespmem:s4+$0x0] =	vst.add.f32.msk $0xffff, v0  }
0x44: {  	v0 =	vld [tilespmem:s16+$0x8310]  }
0x45: {  	v3 =	vld [tilespmem:s9+$0x8080];
	s17 =	sor.u32 $0x90, s9  }
0x46: {  	[tilespmem:s17+$0x0] =	vst.add.f32.msk $0xffff, v2  }
0x47: {  	[tilespmem:s9+$0x0] =	vst.add.f32.msk $0xffff, v1  }
0x48: {  	s15 =	sor.u32 $0x310, s16;
	v1 =	vld [tilespmem:s9+$0x8110]  }
0x49: {  	[tilespmem:s15+$0x0] =	vst.add.f32.msk $0xffff, v0  }
0x4a: {  	s18 =	sor.u32 $0x80, s9;
	v0 =	vld [tilespmem:s16+$0x8390]  }
0x4b: {  	[tilespmem:s18+$0x0] =	vst.add.f32.msk $0xffff, v3  }
0x4c: {  	v2 =	vld [tilespmem:s9+$0x8100]  }
0x4d: {  	s20 =	sor.u32 $0x110, s9;
	v3 =	vld [tilespmem:s16+$0x8280]  }
0x4e: {  	s19 =	sor.u32 $0x390, s16;
	[tilespmem:s20+$0x0] =	vst.add.f32.msk $0xffff, v1  }
0x4f: {  	[tilespmem:s19+$0x0] =	vst.add.f32.msk $0xffff, v0  }
0x50: {  	s21 =	sor.u32 $0x100, s9;
	v0 =	vld [tilespmem:s9+$0x8190]  }
0x51: {  	[tilespmem:s21+$0x0] =	vst.add.f32.msk $0xffff, v2  }
0x52: {  	s22 =	sor.u32 $0x280, s16;
	v1 =	vld [tilespmem:s9+$0x8180]  }
0x53: {  	[tilespmem:s22+$0x0] =	vst.add.f32.msk $0xffff, v3  }
0x54: {  	s23 =	sor.u32 $0x190, s9;
	v3 =	vld [tilespmem:s16+$0x8300]  }
0x55: {  	[tilespmem:s23+$0x0] =	vst.add.f32.msk $0xffff, v0  }
0x56: {  	s26 =	sor.u32 $0x180, s9;
	v2 =	vld [tilespmem:s9+$0x8210]  }
0x57: {  	[tilespmem:s26+$0x0] =	vst.add.f32.msk $0xffff, v1  }
0x58: {  	s12 =	sor.u32 $0x300, s16;
	v1 =	vld [tilespmem:s9+$0x8200]  }
0x59: {  	s3 =	sor.u32 $0x380, s16;
	s31 =	sor.u32 $0x200, s9;
	s17 =	sor.u32 $0x300, s9;
	[tilespmem:s12+$0x0] =	vst.add.f32.msk $0xffff, v3  }
0x5a: {  	s15 =	sor.u32 $0x380, s9;
	s12 =	sor.u32 $0x210, s9;
	s19 =	sor.u32 $0x280, s9;
	v0 =	vld [tilespmem:s16+$0x8380]  }
.LBB2_3:
0x5b: {  	s11 =	sadd.s32 $0x20, s11;
	[tilespmem:s12+$0x0] =	vst.add.f32.msk $0xffff, v2;
	s0 =	sadd.s32 $0x100, s0  }
0x5c: {  	s12 =	sand.u32 $0x60, s11;
	s16 =	sand.u32 $0x1C00, s0;
	p1 =	slt.u32 s11, $0x3E0;
	v2 =	vld [tilespmem:s9+$0x8290]  }
0x5d: {  	s16 =	sor.u32 s12, s16;
	[tilespmem:s31+$0x0] =	vst.add.f32.msk $0xffff, v1  }
0x5e: {  	s18 =	sor.u32 $0x80, s16;
	s22 =	sor.u32 $0x100, s16;
	s23 =	sor.u32 $0x180, s16;
	v1 =	vld [tilespmem:s16+$0x8010]  }
0x5f: {  	s31 =	sor.u32 $0x200, s16;
	s4 =	sor.u32 $0x280, s16;
	s12 =	sor.u32 $0x300, s16;
	v3 =	vld [tilespmem:s16+$0x8000]  }
0x60: {  	s21 =	sor.u32 $0x290, s9;
	s20 =	sor.u32 $0x380, s16;
	v4 =	vld [tilespmem:s16+$0x8080]  }
0x61: {  	[tilespmem:s21+$0x0] =	vst.add.f32.msk $0xffff, v2  }
0x62: {  	s21 =	sor.u32 $0x10, s16;
	v2 =	vld [tilespmem:s9+$0x8310]  }
0x63: {  	[tilespmem:s21+$0x0] =	vst.add.f32.msk $0xffff, v1  }
0x64: {  	v1 =	vld [tilespmem:s16+$0x8090]  }
0x65: {  	[tilespmem:s16+$0x0] =	vst.add.f32.msk $0xffff, v3  }
0x66: {  	[tilespmem:s18+$0x0] =	vst.add.f32.msk $0xffff, v4;
	s18 =	sor.u32 $0x310, s9  }
0x67: {  	[tilespmem:s18+$0x0] =	vst.add.f32.msk $0xffff, v2  }
0x68: {  	s18 =	sor.u32 $0x90, s16;
	v2 =	vld [tilespmem:s9+$0x8390]  }
0x69: {  	[tilespmem:s18+$0x0] =	vst.add.f32.msk $0xffff, v1  }
0x6a: {  	v1 =	vld [tilespmem:s16+$0x8110]  }
0x6b: {  	v3 =	vld [tilespmem:s16+$0x8100]  }
0x6c: {  	s18 =	sor.u32 $0x390, s9;
	v4 =	vld [tilespmem:s9+$0x8280]  }
0x6d: {  	[tilespmem:s18+$0x0] =	vst.add.f32.msk $0xffff, v2  }
0x6e: {  	s18 =	sor.u32 $0x110, s16;
	[tilespmem:s3+$0x0] =	vst.add.f32.msk $0xffff, v0;
	s3 =	smov.u32 s15;
	s15 =	smov.u32 s20  }
0x6f: {  	[tilespmem:s18+$0x0] =	vst.add.f32.msk $0xffff, v1  }
0x70: {  	v0 =	vld [tilespmem:s16+$0x8190]  }
0x71: {  	[tilespmem:s22+$0x0] =	vst.add.f32.msk $0xffff, v3  }
0x72: {  	v1 =	vld [tilespmem:s16+$0x8180]  }
0x73: {  	[tilespmem:s19+$0x0] =	vst.add.f32.msk $0xffff, v4;
	s19 =	smov.u32 s4  }
0x74: {  	s4 =	sor.u32 $0x190, s16;
	v3 =	vld [tilespmem:s9+$0x8300]  }
0x75: {  	[tilespmem:s4+$0x0] =	vst.add.f32.msk $0xffff, v0  }
.Ltmp0:
0x76: {  	v2 =	vld [tilespmem:s16+$0x8210];
	(pc) =	sbr.rel @p1 .LBB2_3-.Ltmp0, $4  }
0x77: {  	[tilespmem:s23+$0x0] =	vst.add.f32.msk $0xffff, v1  }
0x78: {  	v1 =	vld [tilespmem:s16+$0x8200]  }
0x79: {  	[tilespmem:s17+$0x0] =	vst.add.f32.msk $0xffff, v3;
	s17 =	smov.u32 s12  }
0x7a: {  	s12 =	sor.u32 $0x210, s16;
	v0 =	vld [tilespmem:s9+$0x8380];
	s9 =	smov.u32 s16  }
0x7b: {  	[tilespmem:s12+$0x0] =	vst.add.f32.msk $0xffff, v2  }
0x7c: {  	v2 =	vld [tilespmem:s9+$0x8290]  }
0x7d: {  	[tilespmem:s31+$0x0] =	vst.add.f32.msk $0xffff, v1  }
0x7e: {  	v1 =	vld [tilespmem:s9+$0x8280];
	_ =	sdelay $0x1  }
0x7f: {  	s0 =	sor.u32 $0x290, s9  }
0x80: {  	[tilespmem:s0+$0x0] =	vst.add.f32.msk $0xffff, v2  }
0x81: {  	v2 =	vld [tilespmem:s9+$0x8310]  }
0x82: {  	[tilespmem:s19+$0x0] =	vst.add.f32.msk $0xffff, v1  }
0x83: {  	v1 =	vld [tilespmem:s9+$0x8300];
	_ =	sdelay $0x1  }
0x84: {  	s16 =	sor.u32 $0x310, s9  }
0x85: {  	[tilespmem:s16+$0x0] =	vst.add.f32.msk $0xffff, v2  }
0x86: {  	v2 =	vld [tilespmem:s9+$0x8390]  }
0x87: {  	[tilespmem:s17+$0x0] =	vst.add.f32.msk $0xffff, v1  }
0x88: {  	v1 =	vld [tilespmem:s9+$0x8380];
	_ =	sdelay $0x2  }
0x89: {  	[tilespmem:s3+$0x0] =	vst.add.f32.msk $0xffff, v0;
	s17 =	sor.u32 $0x390, s9  }
0x8a: {  	[tilespmem:s17+$0x0] =	vst.add.f32.msk $0xffff, v2  }
0x8b: {  	[tilespmem:s15+$0x0] =	vst.add.f32.msk $0xffff, v1  }
0x8c: {  	s18 =	sshll.u32 s10, $0xC;
	s3 =	rddreg [dreg:$0x8]  }
0x8d: {  	s11 =	sor.u32 $0x3, s8;
	s0 =	sadd.s32 s18, s3  }
0x8e: {  	[hbm4b:s0+s5] =	stream.linear.scatter [tilespmem:s5], [sflag:$0x9], $0x2000, $0x38;
	[tilespmem:$0x10000] =	vst v63  }
0x8f: {  	s19 =	sshll.u32 s11, $0x3;
	s0 =	simm.s32 @!p0 $0xC  }
0x90: {  	s21 =	simm.s32 $0x0;
	s4 =	sadd.s32 s6, s19;
	_ =	swait.ge @!p0 [sflag:s0], $0x2000  }
0x91: {  	s22 =	sadd.s32 s7, s19;
	s4 =	sshll.u32 s4, $0x7;
	[sflag:s0] =	ssyncset.done @!p0 $0x0  }
0x92: {  	s20 =	sadd.s32 s1, s4;
	[sflag:s0] =	ssyncadd.s32 @!p0 $0xFFFFE000;
	s0 =	sshll.u32 s22, $0x7  }
0x93: {  	[tilespmem:s24], [sflag:$0x4] =	stream.linear.gather [hbm4b:s20+s21], $0x2000, $0x38;
	[tilespmem:$0x10000] =	vst v63  }
0x94: {  	s23 =	simm.s32 $0xE000;
	s0 =	sadd.s32 s2, s0;
	s24 =	simm.s32 $0x2  }
0x95: {  	[tilespmem:s23], [sflag:$0x8] =	stream.linear.gather [hbm4b:s0+s21], $0x2000, $0x38;
	[tilespmem:$0x10000] =	vst v63  }
0x96: {  	_ =	swait.ge [sflag:s24], $0x2000  }
0x97: {  	[sflag:s24] =	ssyncset.done $0x0  }
0x98: {  	s26 =	simm.s32 $0x6;
	[sflag:s24] =	ssyncadd.s32 $0xFFFFE000  }
0x99: {  	s3 =	simm.s32 $0x0;
	_ =	swait.ge [sflag:s26], $0x2000  }
0x9a: {  	s9 =	sand.u32 $0x1C00, s21;
	s0 =	sand.u32 $0x60, s3;
	[sflag:s26] =	ssyncset.done $0x0  }
0x9b: {  	s23 =	sor.u32 s0, s9;
	[sflag:s26] =	ssyncadd.s32 $0xFFFFE000  }
0x9c: {  	v0 =	vld [tilespmem:s23+$0xA010];
	_ =	sdelay $0x1  }
0x9d: {  	v1 =	vld [tilespmem:s23+$0xA000];
	_ =	sdelay $0x1  }
0x9e: {  	s0 =	sor.u32 $0x2010, s23  }
0x9f: {  	[tilespmem:s0+$0x0] =	vst.add.f32.msk $0xffff, v0  }
0xa0: {  	s12 =	sor.u32 $0x2000, s23;
	v0 =	vld [tilespmem:s23+$0xA090]  }
0xa1: {  	[tilespmem:s12+$0x0] =	vst.add.f32.msk $0xffff, v1  }
0xa2: {  	v1 =	vld [tilespmem:s23+$0xA080];
	_ =	sdelay $0x1  }
0xa3: {  	s15 =	sor.u32 $0x2090, s23  }
0xa4: {  	[tilespmem:s15+$0x0] =	vst.add.f32.msk $0xffff, v0  }
0xa5: {  	s16 =	sor.u32 $0x2080, s23;
	v0 =	vld [tilespmem:s23+$0xA110]  }
0xa6: {  	[tilespmem:s16+$0x0] =	vst.add.f32.msk $0xffff, v1  }
0xa7: {  	v1 =	vld [tilespmem:s23+$0xA100];
	_ =	sdelay $0x1  }
0xa8: {  	s17 =	sor.u32 $0x2110, s23  }
0xa9: {  	[tilespmem:s17+$0x0] =	vst.add.f32.msk $0xffff, v0  }
0xaa: {  	s18 =	sor.u32 $0x2100, s23;
	v0 =	vld [tilespmem:s23+$0xA190]  }
0xab: {  	[tilespmem:s18+$0x0] =	vst.add.f32.msk $0xffff, v1  }
0xac: {  	v1 =	vld [tilespmem:s23+$0xA180];
	_ =	sdelay $0x1  }
0xad: {  	s19 =	sor.u32 $0x2190, s23  }
0xae: {  	[tilespmem:s19+$0x0] =	vst.add.f32.msk $0xffff, v0  }
0xaf: {  	s20 =	sor.u32 $0x2180, s23;
	v0 =	vld [tilespmem:s23+$0xA210]  }
0xb0: {  	s8 =	simm.s32 $0x20;
	s31 =	simm.s32 $0x100;
	[tilespmem:s20+$0x0] =	vst.add.f32.msk $0xffff, v1  }
0xb1: {  	s22 =	sand.u32 $0x60, s8;
	s24 =	sand.u32 $0x1C00, s31;
	v1 =	vld [tilespmem:s23+$0xA200]  }
0xb2: {  	s9 =	sor.u32 s22, s24  }
0xb3: {  	s21 =	sor.u32 $0x2210, s23;
	v2 =	vld [tilespmem:s9+$0xA010]  }
0xb4: {  	[tilespmem:s21+$0x0] =	vst.add.f32.msk $0xffff, v0  }
0xb5: {  	s26 =	sor.u32 $0x2200, s23;
	v0 =	vld [tilespmem:s23+$0xA290]  }
0xb6: {  	[tilespmem:s26+$0x0] =	vst.add.f32.msk $0xffff, v1  }
0xb7: {  	s4 =	sor.u32 $0x2010, s9;
	v1 =	vld [tilespmem:s9+$0xA000]  }
0xb8: {  	[tilespmem:s4+$0x0] =	vst.add.f32.msk $0xffff, v2  }
0xb9: {  	s3 =	sor.u32 $0x2290, s23;
	v2 =	vld [tilespmem:s9+$0xA090]  }
0xba: {  	[tilespmem:s3+$0x0] =	vst.add.f32.msk $0xffff, v0  }
0xbb: {  	s12 =	sor.u32 $0x2000, s9;
	v0 =	vld [tilespmem:s23+$0xA310]  }
0xbc: {  	[tilespmem:s12+$0x0] =	vst.add.f32.msk $0xffff, v1  }
0xbd: {  	s16 =	sor.u32 $0x2090, s9;
	v1 =	vld [tilespmem:s9+$0xA080]  }
0xbe: {  	[tilespmem:s16+$0x0] =	vst.add.f32.msk $0xffff, v2  }
0xbf: {  	s15 =	sor.u32 $0x2310, s23;
	v2 =	vld [tilespmem:s9+$0xA110]  }
0xc0: {  	[tilespmem:s15+$0x0] =	vst.add.f32.msk $0xffff, v0  }
0xc1: {  	s17 =	sor.u32 $0x2080, s9;
	v0 =	vld [tilespmem:s23+$0xA390]  }
0xc2: {  	[tilespmem:s17+$0x0] =	vst.add.f32.msk $0xffff, v1  }
0xc3: {  	s19 =	sor.u32 $0x2110, s9;
	v1 =	vld [tilespmem:s9+$0xA100]  }
0xc4: {  	[tilespmem:s19+$0x0] =	vst.add.f32.msk $0xffff, v2  }
0xc5: {  	s18 =	sor.u32 $0x2390, s23;
	v3 =	vld [tilespmem:s23+$0xA280]  }
0xc6: {  	[tilespmem:s18+$0x0] =	vst.add.f32.msk $0xffff, v0  }
0xc7: {  	s20 =	sor.u32 $0x2100, s9;
	v0 =	vld [tilespmem:s9+$0xA190]  }
0xc8: {  	[tilespmem:s20+$0x0] =	vst.add.f32.msk $0xffff, v1  }
0xc9: {  	s21 =	sor.u32 $0x2280, s23;
	v1 =	vld [tilespmem:s9+$0xA180]  }
0xca: {  	[tilespmem:s21+$0x0] =	vst.add.f32.msk $0xffff, v3  }
0xcb: {  	s22 =	sor.u32 $0x2190, s9;
	v3 =	vld [tilespmem:s23+$0xA300]  }
0xcc: {  	[tilespmem:s22+$0x0] =	vst.add.f32.msk $0xffff, v0  }
0xcd: {  	s24 =	sor.u32 $0x2180, s9;
	v2 =	vld [tilespmem:s9+$0xA210]  }
0xce: {  	[tilespmem:s24+$0x0] =	vst.add.f32.msk $0xffff, v1  }
0xcf: {  	s26 =	sor.u32 $0x2300, s23;
	v1 =	vld [tilespmem:s9+$0xA200]  }
0xd0: {  	s0 =	sor.u32 $0x2380, s23;
	s19 =	sor.u32 $0x2200, s9;
	s12 =	sor.u32 $0x2210, s9;
	[tilespmem:s26+$0x0] =	vst.add.f32.msk $0xffff, v3  }
0xd1: {  	s3 =	sor.u32 $0x2380, s9;
	s17 =	sor.u32 $0x2280, s9;
	s15 =	sor.u32 $0x2300, s9;
	v0 =	vld [tilespmem:s23+$0xA380]  }
.LBB2_5:
0xd2: {  	s8 =	sadd.s32 $0x20, s8;
	[tilespmem:s12+$0x0] =	vst.add.f32.msk $0xffff, v2;
	s31 =	sadd.s32 $0x100, s31  }
0xd3: {  	s4 =	sand.u32 $0x60, s8;
	s12 =	sand.u32 $0x1C00, s31;
	p0 =	slt.u32 s8, $0x3E0;
	v2 =	vld [tilespmem:s9+$0xA290]  }
0xd4: {  	s16 =	sor.u32 s4, s12;
	[tilespmem:s19+$0x0] =	vst.add.f32.msk $0xffff, v1  }
0xd5: {  	s4 =	sor.u32 $0x2000, s16;
	s18 =	sor.u32 $0x2080, s16;
	s20 =	sor.u32 $0x2100, s16;
	v1 =	vld [tilespmem:s16+$0xA010]  }
0xd6: {  	s21 =	sor.u32 $0x2180, s16;
	s19 =	sor.u32 $0x2200, s16;
	s22 =	sor.u32 $0x2280, s16;
	v3 =	vld [tilespmem:s16+$0xA000]  }
0xd7: {  	s24 =	sor.u32 $0x2290, s9;
	s12 =	sor.u32 $0x2300, s16;
	s23 =	sor.u32 $0x2380, s16;
	v4 =	vld [tilespmem:s9+$0xA280]  }
0xd8: {  	[tilespmem:s24+$0x0] =	vst.add.f32.msk $0xffff, v2  }
0xd9: {  	s24 =	sor.u32 $0x2010, s16;
	v2 =	vld [tilespmem:s9+$0xA310]  }
0xda: {  	[tilespmem:s24+$0x0] =	vst.add.f32.msk $0xffff, v1  }
0xdb: {  	v1 =	vld [tilespmem:s16+$0xA090]  }
0xdc: {  	[tilespmem:s4+$0x0] =	vst.add.f32.msk $0xffff, v3  }
0xdd: {  	s4 =	sor.u32 $0x2310, s9;
	v3 =	vld [tilespmem:s16+$0xA080]  }
0xde: {  	[tilespmem:s4+$0x0] =	vst.add.f32.msk $0xffff, v2  }
0xdf: {  	s4 =	sor.u32 $0x2090, s16;
	v2 =	vld [tilespmem:s9+$0xA390]  }
0xe0: {  	[tilespmem:s4+$0x0] =	vst.add.f32.msk $0xffff, v1  }
0xe1: {  	v1 =	vld [tilespmem:s16+$0xA110]  }
0xe2: {  	[tilespmem:s18+$0x0] =	vst.add.f32.msk $0xffff, v3  }
0xe3: {  	s4 =	sor.u32 $0x2390, s9;
	v3 =	vld [tilespmem:s16+$0xA100]  }
0xe4: {  	[tilespmem:s4+$0x0] =	vst.add.f32.msk $0xffff, v2  }
0xe5: {  	s4 =	sor.u32 $0x2110, s16;
	[tilespmem:s17+$0x0] =	vst.add.f32.msk $0xffff, v4;
	s17 =	smov.u32 s22  }
0xe6: {  	[tilespmem:s4+$0x0] =	vst.add.f32.msk $0xffff, v1  }
0xe7: {  	v1 =	vld [tilespmem:s16+$0xA190]  }
0xe8: {  	[tilespmem:s20+$0x0] =	vst.add.f32.msk $0xffff, v3  }
0xe9: {  	v3 =	vld [tilespmem:s16+$0xA180]  }
0xea: {  	v4 =	vld [tilespmem:s9+$0xA300]  }
0xeb: {  	s4 =	sor.u32 $0x2190, s16;
	[tilespmem:s0+$0x0] =	vst.add.f32.msk $0xffff, v0;
	s0 =	smov.u32 s3;
	s3 =	smov.u32 s23  }
0xec: {  	[tilespmem:s4+$0x0] =	vst.add.f32.msk $0xffff, v1  }
.Ltmp1:
0xed: {  	v2 =	vld [tilespmem:s16+$0xA210];
	(pc) =	sbr.rel @p0 .LBB2_5-.Ltmp1, $4  }
0xee: {  	[tilespmem:s21+$0x0] =	vst.add.f32.msk $0xffff, v3  }
0xef: {  	v1 =	vld [tilespmem:s16+$0xA200]  }
0xf0: {  	[tilespmem:s15+$0x0] =	vst.add.f32.msk $0xffff, v4;
	s15 =	smov.u32 s12  }
0xf1: {  	s12 =	sor.u32 $0x2210, s16;
	v0 =	vld [tilespmem:s9+$0xA380];
	s9 =	smov.u32 s16  }
0xf2: {  	[tilespmem:s12+$0x0] =	vst.add.f32.msk $0xffff, v2  }
0xf3: {  	v2 =	vld [tilespmem:s9+$0xA290]  }
0xf4: {  	[tilespmem:s19+$0x0] =	vst.add.f32.msk $0xffff, v1  }
0xf5: {  	v1 =	vld [tilespmem:s9+$0xA280];
	_ =	sdelay $0x1  }
0xf6: {  	s4 =	sor.u32 $0x2290, s9  }
0xf7: {  	[tilespmem:s4+$0x0] =	vst.add.f32.msk $0xffff, v2  }
0xf8: {  	v2 =	vld [tilespmem:s9+$0xA310]  }
0xf9: {  	[tilespmem:s17+$0x0] =	vst.add.f32.msk $0xffff, v1  }
0xfa: {  	v1 =	vld [tilespmem:s9+$0xA300];
	_ =	sdelay $0x1  }
0xfb: {  	s18 =	sor.u32 $0x2310, s9  }
0xfc: {  	[tilespmem:s18+$0x0] =	vst.add.f32.msk $0xffff, v2  }
0xfd: {  	v2 =	vld [tilespmem:s9+$0xA390]  }
0xfe: {  	[tilespmem:s15+$0x0] =	vst.add.f32.msk $0xffff, v1  }
0xff: {  	v1 =	vld [tilespmem:s9+$0xA380]  }
0x100: {  	s8 =	sshll.u32 s10, $0x5  }
0x101: {  	s20 =	sadd.s32 s8, s6  }
0x102: {  	s19 =	sor.u32 $0x2390, s9;
	s21 =	sshll.u32 s20, $0x7;
	[tilespmem:s0+$0x0] =	vst.add.f32.msk $0xffff, v0  }
0x103: {  	s22 =	sadd.s32 s25, s21;
	[tilespmem:s19+$0x0] =	vst.add.f32.msk $0xffff, v2  }
0x104: {  	s23 =	simm.s32 $0x2000;
	p0 =	seq.s32 s10, $0xF;
	s0 =	sadd.s32 $0x400, s22;
	[tilespmem:s3+$0x0] =	vst.add.f32.msk $0xffff, v1  }
0x105: {  	[hbm4b:s0+s5] =	stream.linear.scatter [tilespmem:s23], [sflag:$0xA], $0x2000, $0x38;
	[tilespmem:$0x10000] =	vst v63  }
0x106: {  	s3 =	sadd.s32 @!p0 $0x20, s8;
	s0 =	simm.s32 @!p0 $0x9  }
0x107: {  	s4 =	sadd.s32 @!p0 s6, s3;
	_ =	swait.ge @!p0 [sflag:s0], $0x2000  }
0x108: {  	s4 =	sshll.u32 @!p0 s4, $0x7;
	[sflag:s0] =	ssyncset.done @!p0 $0x0  }
0x109: {  	[sflag:s0] =	ssyncadd.s32 @!p0 $0xFFFFE000;
	s0 =	sadd.s32 @!p0 s1, s4;
	s4 =	simm.s32 @!p0 $0x0  }
0x10a: {  	[tilespmem:s4], [sflag:$0x1] =	stream.linear.gather @!p0 [hbm4b:s0+s4], $0x2000, $0x38;
	[tilespmem:$0x10000] =	vst v63  }
0x10b: {  	s0 =	sadd.s32 @!p0 s7, s3  }
0x10c: {  	s0 =	sshll.u32 @!p0 s0, $0x7  }
0x10d: {  	s24 =	simm.s32 $0x3;
	s3 =	simm.s32 @!p0 $0x8000;
	s0 =	sadd.s32 @!p0 s2, s0  }
0x10e: {  	[tilespmem:s3], [sflag:$0x5] =	stream.linear.gather @!p0 [hbm4b:s0+s4], $0x2000, $0x38;
	[tilespmem:$0x10000] =	vst v63  }
0x10f: {  	_ =	swait.ge [sflag:s24], $0x2000  }
0x110: {  	[sflag:s24] =	ssyncset.done $0x0  }
0x111: {  	s26 =	smov.u32 s25;
	[sflag:s24] =	ssyncadd.s32 $0xFFFFE000  }
0x112: {  	s25 =	simm.s32 $0x0;
	s4 =	simm.s32 $0x0;
	_ =	swait.ge [sflag:s28], $0x2000  }
0x113: {  	s0 =	sand.u32 $0x1C00, s25;
	s3 =	sand.u32 $0x60, s4;
	[sflag:s28] =	ssyncset.done $0x0  }
0x114: {  	s16 =	sor.u32 s3, s0;
	[sflag:s28] =	ssyncadd.s32 $0xFFFFE000  }
0x115: {  	v0 =	vld [tilespmem:s16+$0xC010];
	_ =	sdelay $0x1  }
0x116: {  	v1 =	vld [tilespmem:s16+$0xC000];
	_ =	sdelay $0x1  }
0x117: {  	s0 =	sor.u32 $0x4010, s16  }
0x118: {  	[tilespmem:s0+$0x0] =	vst.add.f32.msk $0xffff, v0  }
0x119: {  	s9 =	sor.u32 $0x4000, s16;
	v0 =	vld [tilespmem:s16+$0xC090]  }
0x11a: {  	[tilespmem:s9+$0x0] =	vst.add.f32.msk $0xffff, v1  }
0x11b: {  	v1 =	vld [tilespmem:s16+$0xC080];
	_ =	sdelay $0x1  }
0x11c: {  	s12 =	sor.u32 $0x4090, s16  }
0x11d: {  	[tilespmem:s12+$0x0] =	vst.add.f32.msk $0xffff, v0  }
0x11e: {  	s15 =	sor.u32 $0x4080, s16;
	v0 =	vld [tilespmem:s16+$0xC110]  }
0x11f: {  	[tilespmem:s15+$0x0] =	vst.add.f32.msk $0xffff, v1  }
0x120: {  	v1 =	vld [tilespmem:s16+$0xC100];
	_ =	sdelay $0x1  }
0x121: {  	s17 =	sor.u32 $0x4110, s16  }
0x122: {  	[tilespmem:s17+$0x0] =	vst.add.f32.msk $0xffff, v0  }
0x123: {  	s18 =	sor.u32 $0x4100, s16;
	v0 =	vld [tilespmem:s16+$0xC190]  }
0x124: {  	[tilespmem:s18+$0x0] =	vst.add.f32.msk $0xffff, v1  }
0x125: {  	v1 =	vld [tilespmem:s16+$0xC180];
	_ =	sdelay $0x1  }
0x126: {  	s19 =	sor.u32 $0x4190, s16  }
0x127: {  	[tilespmem:s19+$0x0] =	vst.add.f32.msk $0xffff, v0  }
0x128: {  	s20 =	sor.u32 $0x4180, s16;
	v0 =	vld [tilespmem:s16+$0xC210]  }
0x129: {  	s31 =	simm.s32 $0x20;
	s0 =	simm.s32 $0x100;
	[tilespmem:s20+$0x0] =	vst.add.f32.msk $0xffff, v1  }
0x12a: {  	s22 =	sand.u32 $0x60, s31;
	s23 =	sand.u32 $0x1C00, s0;
	v1 =	vld [tilespmem:s16+$0xC200]  }
0x12b: {  	s9 =	sor.u32 s22, s23  }
0x12c: {  	s21 =	sor.u32 $0x4210, s16;
	v2 =	vld [tilespmem:s9+$0xC010]  }
0x12d: {  	[tilespmem:s21+$0x0] =	vst.add.f32.msk $0xffff, v0  }
0x12e: {  	s24 =	sor.u32 $0x4200, s16;
	v0 =	vld [tilespmem:s16+$0xC290]  }
0x12f: {  	[tilespmem:s24+$0x0] =	vst.add.f32.msk $0xffff, v1  }
0x130: {  	s4 =	sor.u32 $0x4010, s9;
	v1 =	vld [tilespmem:s9+$0xC000]  }
0x131: {  	[tilespmem:s4+$0x0] =	vst.add.f32.msk $0xffff, v2  }
0x132: {  	s25 =	sor.u32 $0x4290, s16;
	v2 =	vld [tilespmem:s9+$0xC090]  }
0x133: {  	[tilespmem:s25+$0x0] =	vst.add.f32.msk $0xffff, v0  }
0x134: {  	s12 =	sor.u32 $0x4000, s9;
	v0 =	vld [tilespmem:s16+$0xC310]  }
0x135: {  	[tilespmem:s12+$0x0] =	vst.add.f32.msk $0xffff, v1  }
0x136: {  	s17 =	sor.u32 $0x4090, s9;
	v1 =	vld [tilespmem:s9+$0xC080]  }
0x137: {  	[tilespmem:s17+$0x0] =	vst.add.f32.msk $0xffff, v2  }
0x138: {  	s15 =	sor.u32 $0x4310, s16;
	v2 =	vld [tilespmem:s9+$0xC110]  }
0x139: {  	[tilespmem:s15+$0x0] =	vst.add.f32.msk $0xffff, v0  }
0x13a: {  	s18 =	sor.u32 $0x4080, s9;
	v0 =	vld [tilespmem:s16+$0xC390]  }
0x13b: {  	[tilespmem:s18+$0x0] =	vst.add.f32.msk $0xffff, v1  }
0x13c: {  	s20 =	sor.u32 $0x4110, s9;
	v1 =	vld [tilespmem:s9+$0xC100]  }
0x13d: {  	[tilespmem:s20+$0x0] =	vst.add.f32.msk $0xffff, v2  }
0x13e: {  	s19 =	sor.u32 $0x4390, s16;
	v3 =	vld [tilespmem:s16+$0xC280]  }
0x13f: {  	[tilespmem:s19+$0x0] =	vst.add.f32.msk $0xffff, v0  }
0x140: {  	s21 =	sor.u32 $0x4100, s9;
	v0 =	vld [tilespmem:s9+$0xC190]  }
0x141: {  	[tilespmem:s21+$0x0] =	vst.add.f32.msk $0xffff, v1  }
0x142: {  	s22 =	sor.u32 $0x4280, s16;
	v1 =	vld [tilespmem:s9+$0xC180]  }
0x143: {  	[tilespmem:s22+$0x0] =	vst.add.f32.msk $0xffff, v3  }
0x144: {  	s23 =	sor.u32 $0x4190, s9;
	v3 =	vld [tilespmem:s16+$0xC300]  }
0x145: {  	[tilespmem:s23+$0x0] =	vst.add.f32.msk $0xffff, v0  }
0x146: {  	s24 =	sor.u32 $0x4180, s9;
	v2 =	vld [tilespmem:s9+$0xC210]  }
0x147: {  	[tilespmem:s24+$0x0] =	vst.add.f32.msk $0xffff, v1  }
0x148: {  	s25 =	sor.u32 $0x4300, s16;
	v1 =	vld [tilespmem:s9+$0xC200]  }
0x149: {  	s3 =	sor.u32 $0x4380, s16;
	s17 =	sor.u32 $0x4300, s9;
	s12 =	sor.u32 $0x4210, s9;
	[tilespmem:s25+$0x0] =	vst.add.f32.msk $0xffff, v3  }
0x14a: {  	s15 =	sor.u32 $0x4380, s9;
	s19 =	sor.u32 $0x4280, s9;
	s23 =	sor.u32 $0x4200, s9;
	v0 =	vld [tilespmem:s16+$0xC380]  }
.LBB2_7:
0x14b: {  	s31 =	sadd.s32 $0x20, s31;
	[tilespmem:s12+$0x0] =	vst.add.f32.msk $0xffff, v2;
	s0 =	sadd.s32 $0x100, s0  }
0x14c: {  	s4 =	sand.u32 $0x60, s31;
	s12 =	sand.u32 $0x1C00, s0;
	p1 =	slt.u32 s31, $0x3E0;
	v2 =	vld [tilespmem:s9+$0xC290]  }
0x14d: {  	s16 =	sor.u32 s4, s12;
	[tilespmem:s23+$0x0] =	vst.add.f32.msk $0xffff, v1  }
0x14e: {  	s4 =	sor.u32 $0x4000, s16;
	s18 =	sor.u32 $0x4080, s16;
	s20 =	sor.u32 $0x4100, s16;
	v1 =	vld [tilespmem:s16+$0xC010]  }
0x14f: {  	s21 =	sor.u32 $0x4180, s16;
	s23 =	sor.u32 $0x4200, s16;
	s22 =	sor.u32 $0x4280, s16;
	v3 =	vld [tilespmem:s16+$0xC000]  }
0x150: {  	s25 =	sor.u32 $0x4290, s9;
	s12 =	sor.u32 $0x4300, s16;
	s24 =	sor.u32 $0x4380, s16;
	v4 =	vld [tilespmem:s9+$0xC280]  }
0x151: {  	[tilespmem:s25+$0x0] =	vst.add.f32.msk $0xffff, v2  }
0x152: {  	s25 =	sor.u32 $0x4010, s16;
	v2 =	vld [tilespmem:s9+$0xC310]  }
0x153: {  	[tilespmem:s25+$0x0] =	vst.add.f32.msk $0xffff, v1  }
0x154: {  	v1 =	vld [tilespmem:s16+$0xC090]  }
0x155: {  	[tilespmem:s4+$0x0] =	vst.add.f32.msk $0xffff, v3  }
0x156: {  	s4 =	sor.u32 $0x4310, s9;
	v3 =	vld [tilespmem:s16+$0xC080]  }
0x157: {  	[tilespmem:s4+$0x0] =	vst.add.f32.msk $0xffff, v2  }
0x158: {  	s4 =	sor.u32 $0x4090, s16;
	v2 =	vld [tilespmem:s9+$0xC390]  }
0x159: {  	[tilespmem:s4+$0x0] =	vst.add.f32.msk $0xffff, v1  }
0x15a: {  	v1 =	vld [tilespmem:s16+$0xC110]  }
0x15b: {  	[tilespmem:s18+$0x0] =	vst.add.f32.msk $0xffff, v3  }
0x15c: {  	s4 =	sor.u32 $0x4390, s9;
	v3 =	vld [tilespmem:s16+$0xC100]  }
0x15d: {  	[tilespmem:s4+$0x0] =	vst.add.f32.msk $0xffff, v2  }
0x15e: {  	s4 =	sor.u32 $0x4110, s16;
	[tilespmem:s19+$0x0] =	vst.add.f32.msk $0xffff, v4;
	s19 =	smov.u32 s22  }
0x15f: {  	[tilespmem:s4+$0x0] =	vst.add.f32.msk $0xffff, v1  }
0x160: {  	v1 =	vld [tilespmem:s16+$0xC190]  }
0x161: {  	[tilespmem:s20+$0x0] =	vst.add.f32.msk $0xffff, v3  }
0x162: {  	v3 =	vld [tilespmem:s16+$0xC180]  }
0x163: {  	v4 =	vld [tilespmem:s9+$0xC300]  }
0x164: {  	s4 =	sor.u32 $0x4190, s16;
	[tilespmem:s3+$0x0] =	vst.add.f32.msk $0xffff, v0;
	s3 =	smov.u32 s15;
	s15 =	smov.u32 s24  }
0x165: {  	[tilespmem:s4+$0x0] =	vst.add.f32.msk $0xffff, v1  }
.Ltmp2:
0x166: {  	v2 =	vld [tilespmem:s16+$0xC210];
	(pc) =	sbr.rel @p1 .LBB2_7-.Ltmp2, $4  }
0x167: {  	[tilespmem:s21+$0x0] =	vst.add.f32.msk $0xffff, v3  }
0x168: {  	v1 =	vld [tilespmem:s16+$0xC200]  }
0x169: {  	[tilespmem:s17+$0x0] =	vst.add.f32.msk $0xffff, v4;
	s17 =	smov.u32 s12  }
0x16a: {  	s12 =	sor.u32 $0x4210, s16;
	v0 =	vld [tilespmem:s9+$0xC380];
	s9 =	smov.u32 s16  }
0x16b: {  	[tilespmem:s12+$0x0] =	vst.add.f32.msk $0xffff, v2  }
0x16c: {  	v2 =	vld [tilespmem:s9+$0xC290]  }
0x16d: {  	[tilespmem:s23+$0x0] =	vst.add.f32.msk $0xffff, v1  }
0x16e: {  	v1 =	vld [tilespmem:s9+$0xC280];
	_ =	sdelay $0x1  }
0x16f: {  	s0 =	sor.u32 $0x4290, s9  }
0x170: {  	[tilespmem:s0+$0x0] =	vst.add.f32.msk $0xffff, v2  }
0x171: {  	v2 =	vld [tilespmem:s9+$0xC310]  }
0x172: {  	[tilespmem:s19+$0x0] =	vst.add.f32.msk $0xffff, v1  }
0x173: {  	v1 =	vld [tilespmem:s9+$0xC300];
	_ =	sdelay $0x1  }
0x174: {  	s25 =	sor.u32 $0x4310, s9  }
0x175: {  	[tilespmem:s25+$0x0] =	vst.add.f32.msk $0xffff, v2  }
0x176: {  	v2 =	vld [tilespmem:s9+$0xC390]  }
0x177: {  	[tilespmem:s17+$0x0] =	vst.add.f32.msk $0xffff, v1  }
0x178: {  	v1 =	vld [tilespmem:s9+$0xC380];
	_ =	sdelay $0x1  }
0x179: {  	s4 =	sadd.s32 s13, s14  }
0x17a: {  	s31 =	sor.u32 $0x4390, s9;
	s4 =	sshll.u32 s4, $0xA;
	[tilespmem:s3+$0x0] =	vst.add.f32.msk $0xffff, v0  }
0x17b: {  	s0 =	sand.u32 $0x1FFFF800, s4;
	[tilespmem:s31+$0x0] =	vst.add.f32.msk $0xffff, v2  }
0x17c: {  	s0 =	sadd.s32 s26, s0;
	s25 =	smov.u32 s26;
	s26 =	simm.s32 $0x4000;
	[tilespmem:s15+$0x0] =	vst.add.f32.msk $0xffff, v1  }
0x17d: {  	[hbm4b:s0+s5] =	stream.linear.scatter [tilespmem:s26], [sflag:$0xB], $0x2000, $0x38;
	[tilespmem:$0x10000] =	vst v63  }
0x17e: {  	s0 =	simm.s32 @!p0 $0xA  }
0x17f: {  	s3 =	sadd.s32 @!p0 $0x28, s8;
	_ =	swait.ge @!p0 [sflag:s0], $0x2000  }
0x180: {  	s4 =	sadd.s32 @!p0 s6, s3;
	[sflag:s0] =	ssyncset.done @!p0 $0x0  }
0x181: {  	[sflag:s0] =	ssyncadd.s32 @!p0 $0xFFFFE000;
	s0 =	sshll.u32 @!p0 s4, $0x7  }
0x182: {  	s8 =	simm.s32 @!p0 $0x2000;
	s4 =	simm.s32 @!p0 $0x0;
	s0 =	sadd.s32 @!p0 s1, s0  }
0x183: {  	[tilespmem:s8], [sflag:$0x2] =	stream.linear.gather @!p0 [hbm4b:s0+s4], $0x2000, $0x38;
	[tilespmem:$0x10000] =	vst v63  }
0x184: {  	s0 =	sadd.s32 @!p0 s7, s3  }
0x185: {  	s0 =	sshll.u32 @!p0 s0, $0x7  }
0x186: {  	s3 =	simm.s32 @!p0 $0xA000;
	s0 =	sadd.s32 @!p0 s2, s0  }
0x187: {  	[tilespmem:s3], [sflag:$0x6] =	stream.linear.gather @!p0 [hbm4b:s0+s4], $0x2000, $0x38;
	[tilespmem:$0x10000] =	vst v63  }
0x188: {  	_ =	swait.ge [sflag:s29], $0x2000  }
0x189: {  	[sflag:s29] =	ssyncset.done $0x0  }
0x18a: {  	[sflag:s29] =	ssyncadd.s32 $0xFFFFE000  }
0x18b: {  	s12 =	simm.s32 $0x0;
	s9 =	simm.s32 $0x0;
	_ =	swait.ge [sflag:s30], $0x2000  }
0x18c: {  	s3 =	sand.u32 $0x60, s12;
	s0 =	sand.u32 $0x1C00, s9;
	[sflag:s30] =	ssyncset.done $0x0  }
0x18d: {  	s23 =	sor.u32 s3, s0;
	[sflag:s30] =	ssyncadd.s32 $0xFFFFE000  }
0x18e: {  	v0 =	vld [tilespmem:s23+$0xE010];
	_ =	sdelay $0x1  }
0x18f: {  	v1 =	vld [tilespmem:s23+$0xE000];
	_ =	sdelay $0x1  }
0x190: {  	s0 =	sor.u32 $0x6010, s23  }
0x191: {  	[tilespmem:s0+$0x0] =	vst.add.f32.msk $0xffff, v0  }
0x192: {  	s14 =	sor.u32 $0x6000, s23;
	v0 =	vld [tilespmem:s23+$0xE090]  }
0x193: {  	[tilespmem:s14+$0x0] =	vst.add.f32.msk $0xffff, v1  }
0x194: {  	v1 =	vld [tilespmem:s23+$0xE080];
	_ =	sdelay $0x1  }
0x195: {  	s15 =	sor.u32 $0x6090, s23  }
0x196: {  	[tilespmem:s15+$0x0] =	vst.add.f32.msk $0xffff, v0  }
0x197: {  	s16 =	sor.u32 $0x6080, s23;
	v0 =	vld [tilespmem:s23+$0xE110]  }
0x198: {  	[tilespmem:s16+$0x0] =	vst.add.f32.msk $0xffff, v1  }
0x199: {  	v1 =	vld [tilespmem:s23+$0xE100];
	_ =	sdelay $0x1  }
0x19a: {  	s17 =	sor.u32 $0x6110, s23  }
0x19b: {  	[tilespmem:s17+$0x0] =	vst.add.f32.msk $0xffff, v0  }
0x19c: {  	s18 =	sor.u32 $0x6100, s23;
	v0 =	vld [tilespmem:s23+$0xE190]  }
0x19d: {  	[tilespmem:s18+$0x0] =	vst.add.f32.msk $0xffff, v1  }
0x19e: {  	v1 =	vld [tilespmem:s23+$0xE180];
	_ =	sdelay $0x1  }
0x19f: {  	s19 =	sor.u32 $0x6190, s23  }
0x1a0: {  	[tilespmem:s19+$0x0] =	vst.add.f32.msk $0xffff, v0  }
0x1a1: {  	s20 =	sor.u32 $0x6180, s23;
	v0 =	vld [tilespmem:s23+$0xE210]  }
0x1a2: {  	s9 =	simm.s32 $0x20;
	s0 =	simm.s32 $0x100;
	[tilespmem:s20+$0x0] =	vst.add.f32.msk $0xffff, v1  }
0x1a3: {  	s22 =	sand.u32 $0x60, s9;
	s24 =	sand.u32 $0x1C00, s0;
	v1 =	vld [tilespmem:s23+$0xE200]  }
0x1a4: {  	s8 =	sor.u32 s22, s24  }
0x1a5: {  	s21 =	sor.u32 $0x6210, s23;
	v2 =	vld [tilespmem:s8+$0xE010]  }
0x1a6: {  	[tilespmem:s21+$0x0] =	vst.add.f32.msk $0xffff, v0  }
0x1a7: {  	s31 =	sor.u32 $0x6200, s23;
	v0 =	vld [tilespmem:s23+$0xE290]  }
0x1a8: {  	[tilespmem:s31+$0x0] =	vst.add.f32.msk $0xffff, v1  }
0x1a9: {  	s12 =	sor.u32 $0x6010, s8;
	v1 =	vld [tilespmem:s8+$0xE000]  }
0x1aa: {  	[tilespmem:s12+$0x0] =	vst.add.f32.msk $0xffff, v2  }
0x1ab: {  	s4 =	sor.u32 $0x6290, s23;
	v2 =	vld [tilespmem:s8+$0xE090]  }
0x1ac: {  	[tilespmem:s4+$0x0] =	vst.add.f32.msk $0xffff, v0  }
0x1ad: {  	s14 =	sor.u32 $0x6000, s8;
	v0 =	vld [tilespmem:s23+$0xE310]  }
0x1ae: {  	[tilespmem:s14+$0x0] =	vst.add.f32.msk $0xffff, v1  }
0x1af: {  	s16 =	sor.u32 $0x6090, s8;
	v1 =	vld [tilespmem:s8+$0xE080]  }
0x1b0: {  	[tilespmem:s16+$0x0] =	vst.add.f32.msk $0xffff, v2  }
0x1b1: {  	s15 =	sor.u32 $0x6310, s23;
	v2 =	vld [tilespmem:s8+$0xE110]  }
0x1b2: {  	[tilespmem:s15+$0x0] =	vst.add.f32.msk $0xffff, v0  }
0x1b3: {  	s17 =	sor.u32 $0x6080, s8;
	v0 =	vld [tilespmem:s23+$0xE390]  }
0x1b4: {  	[tilespmem:s17+$0x0] =	vst.add.f32.msk $0xffff, v1  }
0x1b5: {  	s19 =	sor.u32 $0x6110, s8;
	v1 =	vld [tilespmem:s8+$0xE100]  }
0x1b6: {  	[tilespmem:s19+$0x0] =	vst.add.f32.msk $0xffff, v2  }
0x1b7: {  	s18 =	sor.u32 $0x6390, s23;
	v3 =	vld [tilespmem:s23+$0xE280]  }
0x1b8: {  	[tilespmem:s18+$0x0] =	vst.add.f32.msk $0xffff, v0  }
0x1b9: {  	s20 =	sor.u32 $0x6100, s8;
	v0 =	vld [tilespmem:s8+$0xE190]  }
0x1ba: {  	[tilespmem:s20+$0x0] =	vst.add.f32.msk $0xffff, v1  }
0x1bb: {  	s21 =	sor.u32 $0x6280, s23;
	v1 =	vld [tilespmem:s8+$0xE180]  }
0x1bc: {  	[tilespmem:s21+$0x0] =	vst.add.f32.msk $0xffff, v3  }
0x1bd: {  	s22 =	sor.u32 $0x6190, s8;
	v3 =	vld [tilespmem:s23+$0xE300]  }
0x1be: {  	[tilespmem:s22+$0x0] =	vst.add.f32.msk $0xffff, v0  }
0x1bf: {  	s24 =	sor.u32 $0x6180, s8;
	v2 =	vld [tilespmem:s8+$0xE210]  }
0x1c0: {  	[tilespmem:s24+$0x0] =	vst.add.f32.msk $0xffff, v1  }
0x1c1: {  	s31 =	sor.u32 $0x6300, s23;
	v1 =	vld [tilespmem:s8+$0xE200]  }
0x1c2: {  	s3 =	sor.u32 $0x6380, s23;
	s12 =	sor.u32 $0x6210, s8;
	s19 =	sor.u32 $0x6200, s8;
	[tilespmem:s31+$0x0] =	vst.add.f32.msk $0xffff, v3  }
0x1c3: {  	s14 =	sor.u32 $0x6380, s8;
	s17 =	sor.u32 $0x6280, s8;
	s15 =	sor.u32 $0x6300, s8;
	v0 =	vld [tilespmem:s23+$0xE380]  }
.LBB2_9:
0x1c4: {  	s9 =	sadd.s32 $0x20, s9;
	[tilespmem:s12+$0x0] =	vst.add.f32.msk $0xffff, v2;
	s0 =	sadd.s32 $0x100, s0  }
0x1c5: {  	s4 =	sand.u32 $0x60, s9;
	s12 =	sand.u32 $0x1C00, s0;
	p0 =	slt.u32 s9, $0x3E0;
	v2 =	vld [tilespmem:s8+$0xE290]  }
0x1c6: {  	s16 =	sor.u32 s4, s12;
	[tilespmem:s19+$0x0] =	vst.add.f32.msk $0xffff, v1  }
0x1c7: {  	s4 =	sor.u32 $0x6000, s16;
	s18 =	sor.u32 $0x6080, s16;
	s20 =	sor.u32 $0x6100, s16;
	v1 =	vld [tilespmem:s16+$0xE010]  }
0x1c8: {  	s21 =	sor.u32 $0x6180, s16;
	s19 =	sor.u32 $0x6200, s16;
	s22 =	sor.u32 $0x6280, s16;
	v3 =	vld [tilespmem:s16+$0xE000]  }
0x1c9: {  	s24 =	sor.u32 $0x6290, s8;
	s12 =	sor.u32 $0x6300, s16;
	s23 =	sor.u32 $0x6380, s16;
	v4 =	vld [tilespmem:s8+$0xE280]  }
0x1ca: {  	[tilespmem:s24+$0x0] =	vst.add.f32.msk $0xffff, v2  }
0x1cb: {  	s24 =	sor.u32 $0x6010, s16;
	v2 =	vld [tilespmem:s8+$0xE310]  }
0x1cc: {  	[tilespmem:s24+$0x0] =	vst.add.f32.msk $0xffff, v1  }
0x1cd: {  	v1 =	vld [tilespmem:s16+$0xE090]  }
0x1ce: {  	[tilespmem:s4+$0x0] =	vst.add.f32.msk $0xffff, v3  }
0x1cf: {  	s4 =	sor.u32 $0x6310, s8;
	v3 =	vld [tilespmem:s16+$0xE080]  }
0x1d0: {  	[tilespmem:s4+$0x0] =	vst.add.f32.msk $0xffff, v2  }
0x1d1: {  	s4 =	sor.u32 $0x6090, s16;
	v2 =	vld [tilespmem:s8+$0xE390]  }
0x1d2: {  	[tilespmem:s4+$0x0] =	vst.add.f32.msk $0xffff, v1  }
0x1d3: {  	v1 =	vld [tilespmem:s16+$0xE110]  }
0x1d4: {  	[tilespmem:s18+$0x0] =	vst.add.f32.msk $0xffff, v3  }
0x1d5: {  	s4 =	sor.u32 $0x6390, s8;
	v3 =	vld [tilespmem:s16+$0xE100]  }
0x1d6: {  	[tilespmem:s4+$0x0] =	vst.add.f32.msk $0xffff, v2  }
0x1d7: {  	s4 =	sor.u32 $0x6110, s16;
	[tilespmem:s17+$0x0] =	vst.add.f32.msk $0xffff, v4;
	s17 =	smov.u32 s22  }
0x1d8: {  	[tilespmem:s4+$0x0] =	vst.add.f32.msk $0xffff, v1  }
0x1d9: {  	v1 =	vld [tilespmem:s16+$0xE190]  }
0x1da: {  	[tilespmem:s20+$0x0] =	vst.add.f32.msk $0xffff, v3  }
0x1db: {  	v3 =	vld [tilespmem:s16+$0xE180]  }
0x1dc: {  	v4 =	vld [tilespmem:s8+$0xE300]  }
0x1dd: {  	s4 =	sor.u32 $0x6190, s16;
	[tilespmem:s3+$0x0] =	vst.add.f32.msk $0xffff, v0;
	s3 =	smov.u32 s14;
	s14 =	smov.u32 s23  }
0x1de: {  	[tilespmem:s4+$0x0] =	vst.add.f32.msk $0xffff, v1  }
.Ltmp3:
0x1df: {  	v2 =	vld [tilespmem:s16+$0xE210];
	(pc) =	sbr.rel @p0 .LBB2_9-.Ltmp3, $4  }
0x1e0: {  	[tilespmem:s21+$0x0] =	vst.add.f32.msk $0xffff, v3  }
0x1e1: {  	v1 =	vld [tilespmem:s16+$0xE200]  }
0x1e2: {  	[tilespmem:s15+$0x0] =	vst.add.f32.msk $0xffff, v4;
	s15 =	smov.u32 s12  }
0x1e3: {  	s12 =	sor.u32 $0x6210, s16;
	v0 =	vld [tilespmem:s8+$0xE380];
	s8 =	smov.u32 s16  }
0x1e4: {  	[tilespmem:s12+$0x0] =	vst.add.f32.msk $0xffff, v2  }
0x1e5: {  	v2 =	vld [tilespmem:s8+$0xE290]  }
0x1e6: {  	[tilespmem:s19+$0x0] =	vst.add.f32.msk $0xffff, v1  }
0x1e7: {  	v1 =	vld [tilespmem:s8+$0xE280];
	_ =	sdelay $0x1  }
0x1e8: {  	s0 =	sor.u32 $0x6290, s8  }
0x1e9: {  	[tilespmem:s0+$0x0] =	vst.add.f32.msk $0xffff, v2  }
0x1ea: {  	v2 =	vld [tilespmem:s8+$0xE310]  }
0x1eb: {  	[tilespmem:s17+$0x0] =	vst.add.f32.msk $0xffff, v1  }
0x1ec: {  	v1 =	vld [tilespmem:s8+$0xE300];
	_ =	sdelay $0x1  }
0x1ed: {  	s23 =	sor.u32 $0x6310, s8  }
0x1ee: {  	[tilespmem:s23+$0x0] =	vst.add.f32.msk $0xffff, v2  }
0x1ef: {  	v2 =	vld [tilespmem:s8+$0xE390]  }
0x1f0: {  	[tilespmem:s15+$0x0] =	vst.add.f32.msk $0xffff, v1  }
0x1f1: {  	s10 =	sadd.s32 $0x1, s10;
	v1 =	vld [tilespmem:s8+$0xE380]  }
0x1f2: {  	p0 =	sne.s32 s10, $0x10  }
.Ltmp4:
0x1f3: {  	_ = 	snop;
	(pc) =	sbr.rel @p0 .LBB2_2-.Ltmp4, $4  }
0x1f4: {  	s24 =	sor.u32 $0x6390, s8;
	s31 =	sadd.s32 s13, s11;
	[tilespmem:s3+$0x0] =	vst.add.f32.msk $0xffff, v0  }
0x1f5: {  	s0 =	sshll.u32 s31, $0xA;
	[tilespmem:s24+$0x0] =	vst.add.f32.msk $0xffff, v2  }
0x1f6: {  	s0 =	sadd.s32 s25, s0;
	s24 =	simm.s32 $0x6000;
	[tilespmem:s14+$0x0] =	vst.add.f32.msk $0xffff, v1  }
0x1f7: {  	[hbm4b:s0+s5] =	stream.linear.scatter [tilespmem:s24], [sflag:$0xC], $0x2000, $0x38;
	[tilespmem:$0x10000] =	vst v63  }
0x1f8: {  	s0 =	simm.s32 $0x9  }
0x1f9: {  	_ =	swait.ge [sflag:s0], $0x2000  }
0x1fa: {  	[sflag:s0] =	ssyncset.done $0x0  }
0x1fb: {  	s22 =	simm.s32 $0xA;
	[sflag:s0] =	ssyncadd.s32 $0xFFFFE000  }
0x1fc: {  	_ =	swait.ge [sflag:s22], $0x2000  }
0x1fd: {  	[sflag:s22] =	ssyncset.done $0x0  }
0x1fe: {  	s23 =	simm.s32 $0xB;
	[sflag:s22] =	ssyncadd.s32 $0xFFFFE000  }
0x1ff: {  	_ =	swait.ge [sflag:s23], $0x2000  }
0x200: {  	[sflag:s23] =	ssyncset.done $0x0  }
0x201: {  	s3 =	simm.s32 $0xC;
	[sflag:s23] =	ssyncadd.s32 $0xFFFFE000  }
0x202: {  	_ =	swait.ge [sflag:s3], $0x2000  }
0x203: {  	s4 =	rddreg [dreg:$0xa]  }
0x204: {  	s31 =	rddreg [dreg:$0x9];
	s4 =	sadd.s32 $0x1, s4  }
0x205: {  	p0 =	sne.s32 s4, s31  }
.Ltmp5:
0x206: {  	_ = 	snop;
	(pc) =	sbr.rel @p0 .LBB2_1-.Ltmp5, $3  }
0x207: {  	_ =	sdelay $0x1  }
0x208: {  	[sflag:s3] =	ssyncset.done $0x0  }
0x209: {  	[sflag:s3] =	ssyncadd.s32 $0xFFFFE000  }
0x20a: {  	_ =	sfence.sel $0x180000  }
0x20b: {  	[bflag:$0x0] =	sbarrier.arrive $0xFFFF  }
0x20c: {  	_ =	strace $0x90000047  }
0x20d: {  	s0 =	stileid.u32;
	[bflag:$0x2] =	sbarrier.arrive $0xFFFF  }
0x20e: {  	p0 =	sne.s32 s0, $0x0;
	s0 =	rddreg [dreg:$0x3]  }
0x20f: {  	s0 =	sadd.s32 @!p0 $0x100000, s0  }
0x210: {  	[sflag:s0] =	ssyncadd.tile.s32 @!p0 $0x1;
	_ =	shalt  }
.Lfunc_end2:
_tile_overlayer_lowered:
.L_overlay_start_2:
0x211: {  	(tag) =	ssettag $0x2  }
0x212: {  	s0 =	rddreg [dreg:$0x0];
	s2 =	stileid.u32  }
0x213: {  	s1 =	rddreg [dreg:$0x1];
	p0 =	sne.s32 s2, $0x0  }
0x214: {  	s3 =	rddreg [dreg:$0x2];
	[bflag:$0x3] =	sbarrier.arrive $0xFFFF;
	s2 =	simm.s32 @!p0 $0x1C0D  }
0x215: {  	[timem:s3], [sflag:s2] =	dma.local @!p0 [hbm:s0], s1  }
0x216: {  	s0 =	simm.s32 @!p0 $0xD  }
0x217: {  	_ =	swait.ge @!p0 [sflag:s0], s1  }
0x218: {  	s1 =	ssub.s32 @!p0 $0x0, s1;
	[sflag:s0] =	ssyncset.done @!p0 $0x0  }
0x219: {  	[sflag:s0] =	ssyncadd.s32 @!p0 s1  }
0x21a: {  	[bflag:$0x3] =	sbarrier.arrive $0xFFFF  }
0x21b: {  	_ =	shalt  }

</sc_bundles>
